<compile_context>
chip_gen: v7x
topology: tpu7x:2x2x1
jax: 0.10.2.dev20260603
libtpu: 0.0.44.dev20260713+nightly
codegen_flags: <defaults>
</compile_context>

<pallas_src>
import jax
import jax.numpy as jnp
from jax import lax
from jax.experimental import pallas as pl
from jax.experimental.pallas import tpu as pltpu
from jax.experimental.pallas import tpu_sc as plsc

NUM_EXPERTS = 8
D_IN = 1024
D_OUT = 1024
NUM_TOKENS = 4096

BLK = 512
PAD_TOKENS = NUM_TOKENS + NUM_EXPERTS * BLK
G = PAD_TOKENS // BLK

SC_NC = 2
SC_NS = 16
NW = SC_NC * SC_NS
TOK_PER_W = NUM_TOKENS // NW
SC_CHUNK = 64


def _router_kernel(x_ref, gw_ref, gb_ref, dest_ref, be_ref, nb_ref, xb_ref):
    lo = lax.bitcast_convert_type(
        x_ref[:, :D_IN // 2].astype(jnp.bfloat16).astype(jnp.float32),
        jnp.int32)
    hi = lax.bitcast_convert_type(
        x_ref[:, D_IN // 2:].astype(jnp.bfloat16).astype(jnp.float32),
        jnp.int32)
    xb_ref[...] = lax.shift_right_logical(lo, 16) | hi
    logits = lax.dot_general(
        x_ref[...], gw_ref[...], (((1,), (0,)), ((), ())),
        preferred_element_type=jnp.float32,
    ) + gb_ref[...]
    sel = jnp.argmax(logits, axis=1).astype(jnp.int32)
    eids = lax.broadcasted_iota(jnp.int32, (1, NUM_EXPERTS), 1)
    oh = (sel[:, None] == eids).astype(jnp.int32)
    csum = oh
    shift = 1
    while shift < NUM_TOKENS:
        z = jnp.zeros((shift, NUM_EXPERTS), jnp.int32)
        csum = csum + jnp.concatenate([z, csum[:-shift]], axis=0)
        shift *= 2
    rank = jnp.sum(oh * csum, axis=1) - 1
    counts = csum[-1:, :]
    padded = ((counts + BLK - 1) // BLK) * BLK
    incl = padded
    for s in (1, 2, 4):
        z = jnp.zeros((1, s), jnp.int32)
        incl = incl + jnp.concatenate([z, incl[:, :-s]], axis=1)
    seg_start = incl - padded
    dest_ref[...] = rank + jnp.sum(oh * seg_start, axis=1)
    sbs = seg_start // BLK
    nblk = jnp.sum(padded, axis=1, keepdims=True) // BLK
    gid = lax.broadcasted_iota(jnp.int32, (G, NUM_EXPERTS), 0)
    gid = jnp.minimum(gid, nblk - 1)
    be_ref[...] = jnp.sum((gid >= sbs).astype(jnp.int32),
                          axis=1, keepdims=True) - 1
    nb_ref[...] = nblk


def _router(x, gate_W, gate_b):
    return pl.pallas_call(
        _router_kernel,
        out_shape=(
            jax.ShapeDtypeStruct((NUM_TOKENS,), jnp.int32),
            jax.ShapeDtypeStruct((G, 1), jnp.int32),
            jax.ShapeDtypeStruct((1, 1), jnp.int32),
            jax.ShapeDtypeStruct((NUM_TOKENS, D_IN // 2), jnp.int32),
        ),
    )(x, gate_W, gate_b.reshape(1, NUM_EXPERTS))


def _sc_mesh():
    return plsc.VectorSubcoreMesh(core_axis_name="c", subcore_axis_name="s")


def _dispatch_body(x_hbm, dest_hbm, xd_hbm, buf, idx_v, sem):
    wid = lax.axis_index("s") * SC_NC + lax.axis_index("c")
    base = wid * TOK_PER_W
    pltpu.sync_copy(dest_hbm.at[pl.ds(base, TOK_PER_W)], idx_v)
    pltpu.sync_copy(x_hbm.at[pl.ds(base, TOK_PER_W)], buf)
    pltpu.async_copy(buf, xd_hbm.at[idx_v], sem).wait()


def _sc_dispatch(x, dest):
    return pl.kernel(
        _dispatch_body,
        out_type=jax.ShapeDtypeStruct((PAD_TOKENS, D_IN // 2), jnp.int32),
        mesh=_sc_mesh(),
        scratch_types=[
            pltpu.VMEM((TOK_PER_W, D_IN // 2), jnp.int32),
            pltpu.VMEM((TOK_PER_W,), jnp.int32),
            pltpu.SemaphoreType.DMA,
        ],
    )(x, dest)


def _combine_body(yd_hbm, dest_hbm, out_hbm, buf, idx_v, sem):
    wid = lax.axis_index("s") * SC_NC + lax.axis_index("c")
    base = wid * TOK_PER_W
    for c in range(TOK_PER_W // SC_CHUNK):
        off = base + c * SC_CHUNK
        pltpu.sync_copy(dest_hbm.at[pl.ds(off, SC_CHUNK)], idx_v)
        pltpu.async_copy(yd_hbm.at[idx_v], buf, sem).wait()
        pltpu.sync_copy(buf, out_hbm.at[pl.ds(off, SC_CHUNK)])


def _sc_combine(y_disp, dest):
    return pl.kernel(
        _combine_body,
        out_type=jax.ShapeDtypeStruct((NUM_TOKENS, D_OUT), jnp.float32),
        mesh=_sc_mesh(),
        scratch_types=[
            pltpu.VMEM((SC_CHUNK, D_OUT), jnp.float32),
            pltpu.VMEM((SC_CHUNK,), jnp.int32),
            pltpu.SemaphoreType.DMA,
        ],
    )(y_disp, dest)


def _mm_kernel(be_ref, nb_ref, xd_ref, w_ref, b_ref, yd_ref):
    g = pl.program_id(0)

    @pl.when(g < nb_ref[0])
    def _():
        xi = xd_ref[...]
        x_lo = lax.bitcast_convert_type(
            lax.shift_left(xi, 16), jnp.float32).astype(jnp.bfloat16)
        x_hi = lax.bitcast_convert_type(
            xi & jnp.int32(-65536), jnp.float32).astype(jnp.bfloat16)
        dn = (((1,), (0,)), ((), ()))
        w = w_ref[0]
        yd_ref[...] = (
            lax.dot_general(x_lo, w[:D_IN // 2].astype(jnp.bfloat16), dn,
                            preferred_element_type=jnp.float32)
            + lax.dot_general(x_hi, w[D_IN // 2:].astype(jnp.bfloat16), dn,
                              preferred_element_type=jnp.float32)
            + b_ref[0])


def _grouped_matmul(x_disp, expert_W, expert_b, block_expert, nblocks):
    grid_spec = pltpu.PrefetchScalarGridSpec(
        num_scalar_prefetch=2,
        grid=(G,),
        in_specs=[
            pl.BlockSpec((BLK, D_IN // 2),
                         lambda g, be, nb: (jnp.minimum(g, nb[0] - 1), 0)),
            pl.BlockSpec((1, D_IN, D_OUT), lambda g, be, nb: (be[g], 0, 0)),
            pl.BlockSpec((1, 1, D_OUT), lambda g, be, nb: (be[g], 0, 0)),
        ],
        out_specs=pl.BlockSpec(
            (BLK, D_OUT), lambda g, be, nb: (jnp.minimum(g, nb[0] - 1), 0)),
    )
    return pl.pallas_call(
        _mm_kernel,
        grid_spec=grid_spec,
        out_shape=jax.ShapeDtypeStruct((PAD_TOKENS, D_OUT), jnp.float32),
        compiler_params=pltpu.CompilerParams(
            dimension_semantics=("arbitrary",),
        ),
    )(block_expert, nblocks, x_disp, expert_W,
      expert_b.reshape(NUM_EXPERTS, 1, D_OUT))


def kernel(x, gate_W, gate_b, expert_W, expert_b):
    orig_shape = x.shape
    x2 = x.reshape(-1, D_IN)

    dest, be, nb, xb = _router(x2, gate_W, gate_b)
    x_disp = _sc_dispatch(xb, dest)
    y_disp = _grouped_matmul(x_disp, expert_W, expert_b,
                             be.reshape(G), nb.reshape(1))
    out = _sc_combine(y_disp, dest)
    return out.reshape(*orig_shape[:-1], D_OUT)

# --- scband reference (transcript-rebuilt; emitter-appended) ---
"""Pipeline reference for scband-mo-elayer-62818191671813 (READ-ONLY COPY).

The authoritative reference and input builder live on the scoring server;
editing this copy changes nothing except your own understanding.
"""

import jax, jax.numpy as jnp
import numpy as np

NUM_EXPERTS = 8
INPUT_SIZE = 1024
OUTPUT_SIZE = 1024
NUM_TOKENS = 4096


def setup_inputs(seed: int = 0) -> dict:
    key = jax.random.key(seed)
    k0, k1, k2, k3, k4 = jax.random.split(key, 5)
    x = jax.random.normal(k0, (NUM_TOKENS, INPUT_SIZE), dtype=jnp.float32)
    gate_W = jax.random.normal(k1, (INPUT_SIZE, NUM_EXPERTS), dtype=jnp.float32) * 0.02
    gate_b = jnp.zeros((NUM_EXPERTS,), dtype=jnp.float32)
    expert_W = jax.random.normal(k2, (NUM_EXPERTS, INPUT_SIZE, OUTPUT_SIZE), dtype=jnp.float32) * 0.02
    expert_b = jnp.zeros((NUM_EXPERTS, OUTPUT_SIZE), dtype=jnp.float32)
    return {"x": x, "gate_W": gate_W, "gate_b": gate_b, "expert_W": expert_W, "expert_b": expert_b}


def reference(x, gate_W, gate_b, expert_W, expert_b):
    # world_size=1, rank=0: dist.all_reduce / all_to_all_single are identity ops.
    orig_shape = x.shape
    x2 = x.reshape(-1, INPUT_SIZE)
    gate_logits = x2 @ gate_W + gate_b
    gates = jax.nn.softmax(gate_logits, axis=-1)
    selected_experts = jnp.argmax(gates, axis=-1)  # top-1 routing, non-differentiable
    # expert_counts / dispatch bookkeeping (kept for faithfulness of routing stats)
    expert_counts = jnp.bincount(selected_experts, length=NUM_EXPERTS)
    _ = jnp.cumsum(expert_counts)
    # Each token is processed by exactly its argmax expert (dispatch -> expert FFN -> combine).
    # Dense masked-sum formulation is mathematically identical to the sorted dispatch/combine.
    out = jnp.zeros((x2.shape[0], OUTPUT_SIZE), dtype=x2.dtype)
    for e in range(NUM_EXPERTS):
        mask = (selected_experts == e).astype(x2.dtype)[:, None]
        out = out + mask * (x2 @ expert_W[e] + expert_b[e])
    return out.reshape(*orig_shape[:-1], OUTPUT_SIZE)

if __name__ == "__main__":
    import jax
    _d = setup_inputs()
    print(jax.jit(kernel)(*tuple(_d.values())))

</pallas_src>

<mosaic_0001>
#map = affine_map<(d0, d1) -> (0, 0)>
#map1 = affine_map<(d0, d1) -> (0)>
module attributes {stable_mosaic.version = 14 : i64} {
  func.func @_combine_body(%arg0: i32, %arg1: i32, %arg2: memref<8192x1024xf32, #tpu.memory_space<hbm>>, %arg3: memref<4096xi32, #tpu.memory_space<hbm>>, %arg4: memref<4096x1024xf32, #tpu.memory_space<hbm>>, %arg5: memref<64x1024xf32, #tpu.memory_space<vmem>>, %arg6: memref<64xi32, #tpu.memory_space<vmem>>, %arg7: memref<!tpu.dma_semaphore, #tpu.memory_space<semaphore_mem>>) attributes {dimension_semantics = [#tpu.dimension_semantics<core_parallel>, #tpu.dimension_semantics<subcore_parallel>], iteration_bounds = array<i64: 2, 16>, scalar_prefetch = 0 : i64, scratch_operands = 3 : i64, tpu.core_type = #tpu.core_type<sc_vector_subcore>, window_params = [{transform_indices = #map}, {transform_indices = #map1}, {transform_indices = #map}]} {
    %mul3A = arith.constant 2 : i32
    %mul3A_0 = arith.muli %arg1, %mul3A : i32
    %add3A = arith.addi %mul3A_0, %arg0 : i32
    %mul3A_1 = arith.constant 128 : i32
    %mul3A_2 = arith.muli %add3A, %mul3A_1 : i32
    %add3A_3 = arith.constant 0 : i32
    %add3A_4 = arith.addi %mul3A_2, %add3A_3 : i32
    "tpu.region"() ({
      %run_scoped3A = tpu.sem_alloc : memref<!tpu.dma_semaphore, #tpu.memory_space<semaphore_mem>>
      %dma_start3A_17 = tpu.memref_slice %arg3[%add3A_4] : memref<4096xi32, #tpu.memory_space<hbm>> -> memref<64xi32, #tpu.memory_space<hbm>>
      %dma_start3A_18 = tpu.memref_slice %arg3[%add3A_4] : memref<4096xi32, #tpu.memory_space<hbm>> -> memref<64xi32, #tpu.memory_space<hbm>>
      tpu.enqueue_dma source(%dma_start3A_18 : memref<64xi32, #tpu.memory_space<hbm>>) target(%arg6 : memref<64xi32, #tpu.memory_space<vmem>>) target_semaphore(%run_scoped3A : memref<!tpu.dma_semaphore, #tpu.memory_space<semaphore_mem>>)
      %dma_wait3A_19 = tpu.memref_slice %arg3[%add3A_4] : memref<4096xi32, #tpu.memory_space<hbm>> -> memref<64xi32, #tpu.memory_space<hbm>>
      %dma_wait3A_20 = tpu.memref_slice %arg3[%add3A_4] : memref<4096xi32, #tpu.memory_space<hbm>> -> memref<64xi32, #tpu.memory_space<hbm>>
      tpu.wait_dma2 semaphore(%run_scoped3A : memref<!tpu.dma_semaphore, #tpu.memory_space<semaphore_mem>>) src(%dma_wait3A_20 : memref<64xi32, #tpu.memory_space<hbm>>) dst(%arg6 : memref<64xi32, #tpu.memory_space<vmem>>)
      tpu.yield
    }) : () -> ()
    %dma_start3A = arith.constant 0 : i32
    %dma_start3A_5 = arith.constant 0 : i32
    %dma_start3A_6 = tpu.memref_slice %arg2[%dma_start3A, %dma_start3A_5] : memref<8192x1024xf32, #tpu.memory_space<hbm>> -> memref<8192x1024xf32, #tpu.memory_space<hbm>>
    tpu.enqueue_indirect_dma source(%dma_start3A_6 : memref<8192x1024xf32, #tpu.memory_space<hbm>>) target(%arg5 : memref<64x1024xf32, #tpu.memory_space<vmem>>) offsets(%arg6 : memref<64xi32, #tpu.memory_space<vmem>>) semaphore(%arg7 : memref<!tpu.dma_semaphore, #tpu.memory_space<semaphore_mem>>)
    %dma_wait3A = arith.constant 0 : i32
    %dma_wait3A_7 = arith.constant 0 : i32
    %dma_wait3A_8 = tpu.memref_slice %arg2[%dma_wait3A, %dma_wait3A_7] : memref<8192x1024xf32, #tpu.memory_space<hbm>> -> memref<8192x1024xf32, #tpu.memory_space<hbm>>
    tpu.wait_indirect_dma semaphore(%arg7 : memref<!tpu.dma_semaphore, #tpu.memory_space<semaphore_mem>>) src(%dma_wait3A_8 : memref<8192x1024xf32, #tpu.memory_space<hbm>>) dst(%arg5 : memref<64x1024xf32, #tpu.memory_space<vmem>>)
    "tpu.region"() ({
      %run_scoped3A = tpu.sem_alloc : memref<!tpu.dma_semaphore, #tpu.memory_space<semaphore_mem>>
      %dma_start3A_17 = arith.constant 0 : i32
      %dma_start3A_18 = tpu.memref_slice %arg4[%add3A_4, %dma_start3A_17] : memref<4096x1024xf32, #tpu.memory_space<hbm>> -> memref<64x1024xf32, #tpu.memory_space<hbm>>
      %dma_start3A_19 = arith.constant 0 : i32
      %dma_start3A_20 = tpu.memref_slice %arg4[%add3A_4, %dma_start3A_19] : memref<4096x1024xf32, #tpu.memory_space<hbm>> -> memref<64x1024xf32, #tpu.memory_space<hbm>>
      tpu.enqueue_dma source(%arg5 : memref<64x1024xf32, #tpu.memory_space<vmem>>) target(%dma_start3A_20 : memref<64x1024xf32, #tpu.memory_space<hbm>>) target_semaphore(%run_scoped3A : memref<!tpu.dma_semaphore, #tpu.memory_space<semaphore_mem>>)
      %dma_wait3A_21 = arith.constant 0 : i32
      %dma_wait3A_22 = tpu.memref_slice %arg4[%add3A_4, %dma_wait3A_21] : memref<4096x1024xf32, #tpu.memory_space<hbm>> -> memref<64x1024xf32, #tpu.memory_space<hbm>>
      %dma_wait3A_23 = arith.constant 0 : i32
      %dma_wait3A_24 = tpu.memref_slice %arg4[%add3A_4, %dma_wait3A_23] : memref<4096x1024xf32, #tpu.memory_space<hbm>> -> memref<64x1024xf32, #tpu.memory_space<hbm>>
      tpu.wait_dma2 semaphore(%run_scoped3A : memref<!tpu.dma_semaphore, #tpu.memory_space<semaphore_mem>>) src(%arg5 : memref<64x1024xf32, #tpu.memory_space<vmem>>) dst(%dma_wait3A_24 : memref<64x1024xf32, #tpu.memory_space<hbm>>)
      tpu.yield
    }) : () -> ()
    %add3A_9 = arith.constant 64 : i32
    %add3A_10 = arith.addi %mul3A_2, %add3A_9 : i32
    "tpu.region"() ({
      %run_scoped3A = tpu.sem_alloc : memref<!tpu.dma_semaphore, #tpu.memory_space<semaphore_mem>>
      %dma_start3A_17 = tpu.memref_slice %arg3[%add3A_10] : memref<4096xi32, #tpu.memory_space<hbm>> -> memref<64xi32, #tpu.memory_space<hbm>>
      %dma_start3A_18 = tpu.memref_slice %arg3[%add3A_10] : memref<4096xi32, #tpu.memory_space<hbm>> -> memref<64xi32, #tpu.memory_space<hbm>>
      tpu.enqueue_dma source(%dma_start3A_18 : memref<64xi32, #tpu.memory_space<hbm>>) target(%arg6 : memref<64xi32, #tpu.memory_space<vmem>>) target_semaphore(%run_scoped3A : memref<!tpu.dma_semaphore, #tpu.memory_space<semaphore_mem>>)
      %dma_wait3A_19 = tpu.memref_slice %arg3[%add3A_10] : memref<4096xi32, #tpu.memory_space<hbm>> -> memref<64xi32, #tpu.memory_space<hbm>>
      %dma_wait3A_20 = tpu.memref_slice %arg3[%add3A_10] : memref<4096xi32, #tpu.memory_space<hbm>> -> memref<64xi32, #tpu.memory_space<hbm>>
      tpu.wait_dma2 semaphore(%run_scoped3A : memref<!tpu.dma_semaphore, #tpu.memory_space<semaphore_mem>>) src(%dma_wait3A_20 : memref<64xi32, #tpu.memory_space<hbm>>) dst(%arg6 : memref<64xi32, #tpu.memory_space<vmem>>)
      tpu.yield
    }) : () -> ()
    %dma_start3A_11 = arith.constant 0 : i32
    %dma_start3A_12 = arith.constant 0 : i32
    %dma_start3A_13 = tpu.memref_slice %arg2[%dma_start3A_11, %dma_start3A_12] : memref<8192x1024xf32, #tpu.memory_space<hbm>> -> memref<8192x1024xf32, #tpu.memory_space<hbm>>
    tpu.enqueue_indirect_dma source(%dma_start3A_13 : memref<8192x1024xf32, #tpu.memory_space<hbm>>) target(%arg5 : memref<64x1024xf32, #tpu.memory_space<vmem>>) offsets(%arg6 : memref<64xi32, #tpu.memory_space<vmem>>) semaphore(%arg7 : memref<!tpu.dma_semaphore, #tpu.memory_space<semaphore_mem>>)
    %dma_wait3A_14 = arith.constant 0 : i32
    %dma_wait3A_15 = arith.constant 0 : i32
    %dma_wait3A_16 = tpu.memref_slice %arg2[%dma_wait3A_14, %dma_wait3A_15] : memref<8192x1024xf32, #tpu.memory_space<hbm>> -> memref<8192x1024xf32, #tpu.memory_space<hbm>>
    tpu.wait_indirect_dma semaphore(%arg7 : memref<!tpu.dma_semaphore, #tpu.memory_space<semaphore_mem>>) src(%dma_wait3A_16 : memref<8192x1024xf32, #tpu.memory_space<hbm>>) dst(%arg5 : memref<64x1024xf32, #tpu.memory_space<vmem>>)
    "tpu.region"() ({
      %run_scoped3A = tpu.sem_alloc : memref<!tpu.dma_semaphore, #tpu.memory_space<semaphore_mem>>
      %dma_start3A_17 = arith.constant 0 : i32
      %dma_start3A_18 = tpu.memref_slice %arg4[%add3A_10, %dma_start3A_17] : memref<4096x1024xf32, #tpu.memory_space<hbm>> -> memref<64x1024xf32, #tpu.memory_space<hbm>>
      %dma_start3A_19 = arith.constant 0 : i32
      %dma_start3A_20 = tpu.memref_slice %arg4[%add3A_10, %dma_start3A_19] : memref<4096x1024xf32, #tpu.memory_space<hbm>> -> memref<64x1024xf32, #tpu.memory_space<hbm>>
      tpu.enqueue_dma source(%arg5 : memref<64x1024xf32, #tpu.memory_space<vmem>>) target(%dma_start3A_20 : memref<64x1024xf32, #tpu.memory_space<hbm>>) target_semaphore(%run_scoped3A : memref<!tpu.dma_semaphore, #tpu.memory_space<semaphore_mem>>)
      %dma_wait3A_21 = arith.constant 0 : i32
      %dma_wait3A_22 = tpu.memref_slice %arg4[%add3A_10, %dma_wait3A_21] : memref<4096x1024xf32, #tpu.memory_space<hbm>> -> memref<64x1024xf32, #tpu.memory_space<hbm>>
      %dma_wait3A_23 = arith.constant 0 : i32
      %dma_wait3A_24 = tpu.memref_slice %arg4[%add3A_10, %dma_wait3A_23] : memref<4096x1024xf32, #tpu.memory_space<hbm>> -> memref<64x1024xf32, #tpu.memory_space<hbm>>
      tpu.wait_dma2 semaphore(%run_scoped3A : memref<!tpu.dma_semaphore, #tpu.memory_space<semaphore_mem>>) src(%arg5 : memref<64x1024xf32, #tpu.memory_space<vmem>>) dst(%dma_wait3A_24 : memref<64x1024xf32, #tpu.memory_space<hbm>>)
      tpu.yield
    }) : () -> ()
    return
  }
}

#map = affine_map<(d0, d1) -> (0, 0)>
#map1 = affine_map<(d0, d1) -> (0)>
module attributes {stable_mosaic.version = 14 : i64} {
  func.func @_dispatch_body(%arg0: i32, %arg1: i32, %arg2: memref<4096x512xi32, #tpu.memory_space<hbm>>, %arg3: memref<4096xi32, #tpu.memory_space<hbm>>, %arg4: memref<8192x512xi32, #tpu.memory_space<hbm>>, %arg5: memref<128x512xi32, #tpu.memory_space<vmem>>, %arg6: memref<128xi32, #tpu.memory_space<vmem>>, %arg7: memref<!tpu.dma_semaphore, #tpu.memory_space<semaphore_mem>>) attributes {dimension_semantics = [#tpu.dimension_semantics<core_parallel>, #tpu.dimension_semantics<subcore_parallel>], iteration_bounds = array<i64: 2, 16>, scalar_prefetch = 0 : i64, scratch_operands = 3 : i64, tpu.core_type = #tpu.core_type<sc_vector_subcore>, window_params = [{transform_indices = #map}, {transform_indices = #map1}, {transform_indices = #map}]} {
    %mul3A = arith.constant 2 : i32
    %mul3A_0 = arith.muli %arg1, %mul3A : i32
    %add3A = arith.addi %mul3A_0, %arg0 : i32
    %mul3A_1 = arith.constant 128 : i32
    %mul3A_2 = arith.muli %add3A, %mul3A_1 : i32
    "tpu.region"() ({
      %run_scoped3A = tpu.sem_alloc : memref<!tpu.dma_semaphore, #tpu.memory_space<semaphore_mem>>
      %dma_start3A_7 = tpu.memref_slice %arg3[%mul3A_2] : memref<4096xi32, #tpu.memory_space<hbm>> -> memref<128xi32, #tpu.memory_space<hbm>>
      %dma_start3A_8 = tpu.memref_slice %arg3[%mul3A_2] : memref<4096xi32, #tpu.memory_space<hbm>> -> memref<128xi32, #tpu.memory_space<hbm>>
      tpu.enqueue_dma source(%dma_start3A_8 : memref<128xi32, #tpu.memory_space<hbm>>) target(%arg6 : memref<128xi32, #tpu.memory_space<vmem>>) target_semaphore(%run_scoped3A : memref<!tpu.dma_semaphore, #tpu.memory_space<semaphore_mem>>)
      %dma_wait3A_9 = tpu.memref_slice %arg3[%mul3A_2] : memref<4096xi32, #tpu.memory_space<hbm>> -> memref<128xi32, #tpu.memory_space<hbm>>
      %dma_wait3A_10 = tpu.memref_slice %arg3[%mul3A_2] : memref<4096xi32, #tpu.memory_space<hbm>> -> memref<128xi32, #tpu.memory_space<hbm>>
      tpu.wait_dma2 semaphore(%run_scoped3A : memref<!tpu.dma_semaphore, #tpu.memory_space<semaphore_mem>>) src(%dma_wait3A_10 : memref<128xi32, #tpu.memory_space<hbm>>) dst(%arg6 : memref<128xi32, #tpu.memory_space<vmem>>)
      tpu.yield
    }) : () -> ()
    "tpu.region"() ({
      %run_scoped3A = tpu.sem_alloc : memref<!tpu.dma_semaphore, #tpu.memory_space<semaphore_mem>>
      %dma_start3A_7 = arith.constant 0 : i32
      %dma_start3A_8 = tpu.memref_slice %arg2[%mul3A_2, %dma_start3A_7] : memref<4096x512xi32, #tpu.memory_space<hbm>> -> memref<128x512xi32, #tpu.memory_space<hbm>>
      %dma_start3A_9 = arith.constant 0 : i32
      %dma_start3A_10 = tpu.memref_slice %arg2[%mul3A_2, %dma_start3A_9] : memref<4096x512xi32, #tpu.memory_space<hbm>> -> memref<128x512xi32, #tpu.memory_space<hbm>>
      tpu.enqueue_dma source(%dma_start3A_10 : memref<128x512xi32, #tpu.memory_space<hbm>>) target(%arg5 : memref<128x512xi32, #tpu.memory_space<vmem>>) target_semaphore(%run_scoped3A : memref<!tpu.dma_semaphore, #tpu.memory_space<semaphore_mem>>)
      %dma_wait3A_11 = arith.constant 0 : i32
      %dma_wait3A_12 = tpu.memref_slice %arg2[%mul3A_2, %dma_wait3A_11] : memref<4096x512xi32, #tpu.memory_space<hbm>> -> memref<128x512xi32, #tpu.memory_space<hbm>>
      %dma_wait3A_13 = arith.constant 0 : i32
      %dma_wait3A_14 = tpu.memref_slice %arg2[%mul3A_2, %dma_wait3A_13] : memref<4096x512xi32, #tpu.memory_space<hbm>> -> memref<128x512xi32, #tpu.memory_space<hbm>>
      tpu.wait_dma2 semaphore(%run_scoped3A : memref<!tpu.dma_semaphore, #tpu.memory_space<semaphore_mem>>) src(%dma_wait3A_14 : memref<128x512xi32, #tpu.memory_space<hbm>>) dst(%arg5 : memref<128x512xi32, #tpu.memory_space<vmem>>)
      tpu.yield
    }) : () -> ()
    %dma_start3A = arith.constant 0 : i32
    %dma_start3A_3 = arith.constant 0 : i32
    %dma_start3A_4 = tpu.memref_slice %arg4[%dma_start3A, %dma_start3A_3] : memref<8192x512xi32, #tpu.memory_space<hbm>> -> memref<8192x512xi32, #tpu.memory_space<hbm>>
    tpu.enqueue_indirect_dma source(%arg5 : memref<128x512xi32, #tpu.memory_space<vmem>>) target(%dma_start3A_4 : memref<8192x512xi32, #tpu.memory_space<hbm>>) offsets(%arg6 : memref<128xi32, #tpu.memory_space<vmem>>) semaphore(%arg7 : memref<!tpu.dma_semaphore, #tpu.memory_space<semaphore_mem>>)
    %dma_wait3A = arith.constant 0 : i32
    %dma_wait3A_5 = arith.constant 0 : i32
    %dma_wait3A_6 = tpu.memref_slice %arg4[%dma_wait3A, %dma_wait3A_5] : memref<8192x512xi32, #tpu.memory_space<hbm>> -> memref<8192x512xi32, #tpu.memory_space<hbm>>
    tpu.wait_indirect_dma semaphore(%arg7 : memref<!tpu.dma_semaphore, #tpu.memory_space<semaphore_mem>>) src(%arg5 : memref<128x512xi32, #tpu.memory_space<vmem>>) dst(%dma_wait3A_6 : memref<8192x512xi32, #tpu.memory_space<hbm>>)
    return
  }
}

module attributes {stable_mosaic.version = 14 : i64} {
  func.func @_mm_kernel(%arg0: i32, %arg1: memref<16xi32, #tpu.memory_space<smem>>, %arg2: memref<1xi32, #tpu.memory_space<smem>>, %arg3: memref<512x512xi32, #tpu.memory_space<vmem>>, %arg4: memref<1x1024x1024xf32, #tpu.memory_space<vmem>>, %arg5: memref<1x1x1024xf32, #tpu.memory_space<vmem>>, %arg6: memref<512x1024xf32, #tpu.memory_space<vmem>>) attributes {dimension_semantics = [#tpu.dimension_semantics<arbitrary>], iteration_bounds = array<i64: 16>, scalar_prefetch = 2 : i64, scratch_operands = 0 : i64, tpu.core_type = #tpu.core_type<tc>, window_params = [{transform_indices = @transform_0, window_bounds = array<i64: 512, 512>}, {transform_indices = @transform_1, window_bounds = array<i64: 1, 1024, 1024>}, {transform_indices = @transform_2, window_bounds = array<i64: 1, 1, 1024>}, {transform_indices = @transform_3, window_bounds = array<i64: 512, 1024>}]} {
    %get3A = arith.constant 0 : index
    %get3A_0 = memref.load %arg2[%get3A] : memref<1xi32, #tpu.memory_space<smem>>
    %lt3A = arith.cmpi slt, %arg0, %get3A_0 : i32
    %convert_element_type3A = arith.extui %lt3A : i1 to i32
    %cond3A = arith.constant 0 : i32
    %cond3A_1 = arith.cmpi ne, %convert_element_type3A, %cond3A : i32
    scf.if %cond3A_1 {
      %get3A_2 = arith.constant 0 : index
      %get3A_3 = arith.constant 0 : index
      %get3A_4 = vector.load %arg3[%get3A_2, %get3A_3] : memref<512x512xi32, #tpu.memory_space<vmem>>, vector<512x512xi32>
      %shift_left3A = arith.constant 16 : i32
      %shift_left3A_5 = vector.broadcast %shift_left3A : i32 to vector<512x512xi32>
      %shift_left3A_6 = arith.shli %get3A_4, %shift_left3A_5 : vector<512x512xi32>
      %bitcast_convert_type3A = tpu.bitcast %shift_left3A_6 : vector<512x512xi32> -> vector<512x512xf32>
      %convert_element_type3A_7 = arith.truncf %bitcast_convert_type3A : vector<512x512xf32> to vector<512x512xbf16>
      %and3A = arith.constant -65536 : i32
      %and3A_8 = vector.broadcast %and3A : i32 to vector<512x512xi32>
      %and3A_9 = arith.andi %get3A_4, %and3A_8 : vector<512x512xi32>
      %bitcast_convert_type3A_10 = tpu.bitcast %and3A_9 : vector<512x512xi32> -> vector<512x512xf32>
      %convert_element_type3A_11 = arith.truncf %bitcast_convert_type3A_10 : vector<512x512xf32> to vector<512x512xbf16>
      %get3A_12 = arith.constant 0 : index
      %get3A_13 = arith.constant 0 : index
      %get3A_14 = arith.constant 0 : index
      %get3A_15 = vector.load %arg4[%get3A_12, %get3A_13, %get3A_14] : memref<1x1024x1024xf32, #tpu.memory_space<vmem>>, vector<1x1024x1024xf32>
      %get3A_16 = vector.shape_cast %get3A_15 : vector<1x1024x1024xf32> to vector<1024x1024xf32>
      %slice3A = vector.extract_strided_slice %get3A_16 {offsets = [0, 0], sizes = [512, 1024], strides = [1, 1]} : vector<1024x1024xf32> to vector<512x1024xf32>
      %convert_element_type3A_17 = arith.truncf %slice3A : vector<512x1024xf32> to vector<512x1024xbf16>
      %dot_general3A = arith.constant dense<0.000000e+00> : vector<512x1024xf32>
      %dot_general3A_18 = tpu.matmul %convert_element_type3A_7, %convert_element_type3A_17, %dot_general3A {dimension_numbers = #tpu.dot_dimension_numbers<[1], [0], [0], [1], [0, 0, 1, 1], [], []>, transpose_lhs_hint = false} : vector<512x512xbf16>, vector<512x1024xbf16>, vector<512x1024xf32> -> vector<512x1024xf32>
      %slice3A_19 = vector.extract_strided_slice %get3A_16 {offsets = [512, 0], sizes = [512, 1024], strides = [1, 1]} : vector<1024x1024xf32> to vector<512x1024xf32>
      %convert_element_type3A_20 = arith.truncf %slice3A_19 : vector<512x1024xf32> to vector<512x1024xbf16>
      %dot_general3A_21 = arith.constant dense<0.000000e+00> : vector<512x1024xf32>
      %dot_general3A_22 = tpu.matmul %convert_element_type3A_11, %convert_element_type3A_20, %dot_general3A_21 {dimension_numbers = #tpu.dot_dimension_numbers<[1], [0], [0], [1], [0, 0, 1, 1], [], []>, transpose_lhs_hint = false} : vector<512x512xbf16>, vector<512x1024xbf16>, vector<512x1024xf32> -> vector<512x1024xf32>
      %add3A = arith.addf %dot_general3A_18, %dot_general3A_22 : vector<512x1024xf32>
      %get3A_23 = arith.constant 0 : index
      %get3A_24 = arith.constant 0 : index
      %get3A_25 = arith.constant 0 : index
      %get3A_26 = vector.load %arg5[%get3A_23, %get3A_24, %get3A_25] : memref<1x1x1024xf32, #tpu.memory_space<vmem>>, vector<1x1x1024xf32>
      %get3A_27 = vector.shape_cast %get3A_26 : vector<1x1x1024xf32> to vector<1x1024xf32>
      %add3A_28 = vector.broadcast %get3A_27 : vector<1x1024xf32> to vector<512x1024xf32>
      %add3A_29 = arith.addf %add3A, %add3A_28 : vector<512x1024xf32>
      %swap3A = arith.constant 0 : index
      %swap3A_30 = arith.constant 0 : index
      %swap3A_31 = vector.load %arg6[%swap3A, %swap3A_30] : memref<512x1024xf32, #tpu.memory_space<vmem>>, vector<512x1024xf32>
      tpu.vector_store %arg6[%swap3A, %swap3A_30], %add3A_29 {strides = array<i32>} : memref<512x1024xf32, #tpu.memory_space<vmem>>, vector<512x1024xf32>,
    } else {
    }
    return
  }
  func.func @transform_0(%arg0: i32, %arg1: memref<16xi32, #tpu.memory_space<smem>>, %arg2: memref<1xi32, #tpu.memory_space<smem>>) -> (i32, i32) {
    %get3A = arith.constant 0 : index
    %get3A_0 = memref.load %arg2[%get3A] : memref<1xi32, #tpu.memory_space<smem>>
    %sub3A = arith.constant 1 : i32
    %sub3A_1 = arith.subi %get3A_0, %sub3A : i32
    %min3A = arith.minsi %arg0, %sub3A_1 : i32
    %c0_i32 = arith.constant 0 : i32
    %c0_i32_2 = arith.constant 0 : i32
    return %min3A, %c0_i32 : i32, i32
  }
  func.func @transform_1(%arg0: i32, %arg1: memref<16xi32, #tpu.memory_space<smem>>, %arg2: memref<1xi32, #tpu.memory_space<smem>>) -> (i32, i32, i32) {
    %get3A = arith.index_cast %arg0 : i32 to index
    %get3A_0 = memref.load %arg1[%get3A] : memref<16xi32, #tpu.memory_space<smem>>
    %c0_i32 = arith.constant 0 : i32
    %c0_i32_1 = arith.constant 0 : i32
    %c0_i32_2 = arith.constant 0 : i32
    return %get3A_0, %c0_i32, %c0_i32_1 : i32, i32, i32
  }
  func.func @transform_2(%arg0: i32, %arg1: memref<16xi32, #tpu.memory_space<smem>>, %arg2: memref<1xi32, #tpu.memory_space<smem>>) -> (i32, i32, i32) {
    %get3A = arith.index_cast %arg0 : i32 to index
    %get3A_0 = memref.load %arg1[%get3A] : memref<16xi32, #tpu.memory_space<smem>>
    %c0_i32 = arith.constant 0 : i32
    %c0_i32_1 = arith.constant 0 : i32
    %c0_i32_2 = arith.constant 0 : i32
    return %get3A_0, %c0_i32, %c0_i32_1 : i32, i32, i32
  }
  func.func @transform_3(%arg0: i32, %arg1: memref<16xi32, #tpu.memory_space<smem>>, %arg2: memref<1xi32, #tpu.memory_space<smem>>) -> (i32, i32) {
    %get3A = arith.constant 0 : index
    %get3A_0 = memref.load %arg2[%get3A] : memref<1xi32, #tpu.memory_space<smem>>
    %sub3A = arith.constant 1 : i32
    %sub3A_1 = arith.subi %get3A_0, %sub3A : i32
    %min3A = arith.minsi %arg0, %sub3A_1 : i32
    %c0_i32 = arith.constant 0 : i32
    %c0_i32_2 = arith.constant 0 : i32
    return %min3A, %c0_i32 : i32, i32
  }
}

module attributes {stable_mosaic.version = 14 : i64} {
  func.func @_router_kernel(%arg0: memref<4096x1024xf32, #tpu.memory_space<vmem>>, %arg1: memref<1024x8xf32, #tpu.memory_space<vmem>>, %arg2: memref<1x8xf32, #tpu.memory_space<vmem>>, %arg3: memref<4096xi32, #tpu.memory_space<vmem>>, %arg4: memref<16x1xi32, #tpu.memory_space<vmem>>, %arg5: memref<1x1xi32, #tpu.memory_space<vmem>>, %arg6: memref<4096x512xi32, #tpu.memory_space<vmem>>) attributes {dimension_semantics = [], scalar_prefetch = 0 : i64, scratch_operands = 0 : i64, tpu.core_type = #tpu.core_type<tc>} {
    %get3A = arith.constant 0 : index
    %get3A_0 = arith.constant 0 : index
    %get3A_1 = vector.load %arg0[%get3A, %get3A_0] : memref<4096x1024xf32, #tpu.memory_space<vmem>>, vector<4096x512xf32>
    %convert_element_type3A = arith.truncf %get3A_1 : vector<4096x512xf32> to vector<4096x512xbf16>
    %convert_element_type3A_2 = arith.extf %convert_element_type3A : vector<4096x512xbf16> to vector<4096x512xf32>
    %bitcast_convert_type3A = tpu.bitcast %convert_element_type3A_2 : vector<4096x512xf32> -> vector<4096x512xi32>
    %get3A_3 = arith.constant 0 : index
    %get3A_4 = arith.constant 512 : index
    %get3A_5 = vector.load %arg0[%get3A_3, %get3A_4] : memref<4096x1024xf32, #tpu.memory_space<vmem>>, vector<4096x512xf32>
    %convert_element_type3A_6 = arith.truncf %get3A_5 : vector<4096x512xf32> to vector<4096x512xbf16>
    %convert_element_type3A_7 = arith.extf %convert_element_type3A_6 : vector<4096x512xbf16> to vector<4096x512xf32>
    %bitcast_convert_type3A_8 = tpu.bitcast %convert_element_type3A_7 : vector<4096x512xf32> -> vector<4096x512xi32>
    %shift_right_logical3A = arith.constant 16 : i32
    %shift_right_logical3A_9 = vector.broadcast %shift_right_logical3A : i32 to vector<4096x512xi32>
    %shift_right_logical3A_10 = arith.shrui %bitcast_convert_type3A, %shift_right_logical3A_9 : vector<4096x512xi32>
    %or3A = arith.ori %shift_right_logical3A_10, %bitcast_convert_type3A_8 : vector<4096x512xi32>
    %swap3A = arith.constant 0 : index
    %swap3A_11 = arith.constant 0 : index
    %swap3A_12 = vector.load %arg6[%swap3A, %swap3A_11] : memref<4096x512xi32, #tpu.memory_space<vmem>>, vector<4096x512xi32>
    tpu.vector_store %arg6[%swap3A, %swap3A_11], %or3A {strides = array<i32>} : memref<4096x512xi32, #tpu.memory_space<vmem>>, vector<4096x512xi32>,
    %get3A_13 = arith.constant 0 : index
    %get3A_14 = arith.constant 0 : index
    %get3A_15 = vector.load %arg0[%get3A_13, %get3A_14] : memref<4096x1024xf32, #tpu.memory_space<vmem>>, vector<4096x1024xf32>
    %get3A_16 = arith.constant 0 : index
    %get3A_17 = arith.constant 0 : index
    %get3A_18 = vector.load %arg1[%get3A_16, %get3A_17] : memref<1024x8xf32, #tpu.memory_space<vmem>>, vector<1024x8xf32>
    %dot_general3A = arith.constant dense<0.000000e+00> : vector<4096x8xf32>
    %dot_general3A_19 = tpu.matmul %get3A_15, %get3A_18, %dot_general3A {dimension_numbers = #tpu.dot_dimension_numbers<[1], [0], [0], [1], [0, 0, 1, 1], [], []>, transpose_lhs_hint = false} : vector<4096x1024xf32>, vector<1024x8xf32>, vector<4096x8xf32> -> vector<4096x8xf32>
    %get3A_20 = arith.constant 0 : index
    %get3A_21 = arith.constant 0 : index
    %get3A_22 = vector.load %arg2[%get3A_20, %get3A_21] : memref<1x8xf32, #tpu.memory_space<vmem>>, vector<1x8xf32>
    %add3A = vector.broadcast %get3A_22 : vector<1x8xf32> to vector<4096x8xf32>
    %add3A_23 = arith.addf %dot_general3A_19, %add3A : vector<4096x8xf32>
    %argmax3A = tpu.reduce_index %add3A_23 {axis = 1 : i32, kind = #tpu.reduction_kind<arg_max>} : vector<4096x8xf32> -> vector<4096xi32>
    %iota3A = tpu.iota {dimensions = array<i32: 1>} : vector<1x8xi32>
    %broadcast_in_dim3A = vector.shape_cast %argmax3A : vector<4096xi32> to vector<4096x1xi32>
    %eq3A = vector.broadcast %broadcast_in_dim3A : vector<4096x1xi32> to vector<4096x8xi32>
    %eq3A_24 = vector.broadcast %iota3A : vector<1x8xi32> to vector<4096x8xi32>
    %eq3A_25 = arith.cmpi eq, %eq3A, %eq3A_24 : vector<4096x8xi32>
    %convert_element_type3A_26 = arith.extui %eq3A_25 : vector<4096x8xi1> to vector<4096x8xi32>
    %broadcast_in_dim3A_27 = arith.constant 0 : i32
    %broadcast_in_dim3A_28 = vector.broadcast %broadcast_in_dim3A_27 : i32 to vector<1x8xi32>
    %slice3A = vector.extract_strided_slice %convert_element_type3A_26 {offsets = [0, 0], sizes = [4095, 8], strides = [1, 1]} : vector<4096x8xi32> to vector<4095x8xi32>
    %concatenate3A = tpu.concatenate %broadcast_in_dim3A_28, %slice3A in 0 : vector<1x8xi32>, vector<4095x8xi32> -> vector<4096x8xi32>
    %add3A_29 = arith.addi %convert_element_type3A_26, %concatenate3A : vector<4096x8xi32>
    %broadcast_in_dim3A_30 = arith.constant 0 : i32
    %broadcast_in_dim3A_31 = vector.broadcast %broadcast_in_dim3A_30 : i32 to vector<2x8xi32>
    %slice3A_32 = vector.extract_strided_slice %add3A_29 {offsets = [0, 0], sizes = [4094, 8], strides = [1, 1]} : vector<4096x8xi32> to vector<4094x8xi32>
    %concatenate3A_33 = tpu.concatenate %broadcast_in_dim3A_31, %slice3A_32 in 0 : vector<2x8xi32>, vector<4094x8xi32> -> vector<4096x8xi32>
    %add3A_34 = arith.addi %add3A_29, %concatenate3A_33 : vector<4096x8xi32>
    %broadcast_in_dim3A_35 = arith.constant 0 : i32
    %broadcast_in_dim3A_36 = vector.broadcast %broadcast_in_dim3A_35 : i32 to vector<4x8xi32>
    %slice3A_37 = vector.extract_strided_slice %add3A_34 {offsets = [0, 0], sizes = [4092, 8], strides = [1, 1]} : vector<4096x8xi32> to vector<4092x8xi32>
    %concatenate3A_38 = tpu.concatenate %broadcast_in_dim3A_36, %slice3A_37 in 0 : vector<4x8xi32>, vector<4092x8xi32> -> vector<4096x8xi32>
    %add3A_39 = arith.addi %add3A_34, %concatenate3A_38 : vector<4096x8xi32>
    %broadcast_in_dim3A_40 = arith.constant 0 : i32
    %broadcast_in_dim3A_41 = vector.broadcast %broadcast_in_dim3A_40 : i32 to vector<8x8xi32>
    %slice3A_42 = vector.extract_strided_slice %add3A_39 {offsets = [0, 0], sizes = [4088, 8], strides = [1, 1]} : vector<4096x8xi32> to vector<4088x8xi32>
    %concatenate3A_43 = tpu.concatenate %broadcast_in_dim3A_41, %slice3A_42 in 0 : vector<8x8xi32>, vector<4088x8xi32> -> vector<4096x8xi32>
    %add3A_44 = arith.addi %add3A_39, %concatenate3A_43 : vector<4096x8xi32>
    %broadcast_in_dim3A_45 = arith.constant 0 : i32
    %broadcast_in_dim3A_46 = vector.broadcast %broadcast_in_dim3A_45 : i32 to vector<16x8xi32>
    %slice3A_47 = vector.extract_strided_slice %add3A_44 {offsets = [0, 0], sizes = [4080, 8], strides = [1, 1]} : vector<4096x8xi32> to vector<4080x8xi32>
    %concatenate3A_48 = tpu.concatenate %broadcast_in_dim3A_46, %slice3A_47 in 0 : vector<16x8xi32>, vector<4080x8xi32> -> vector<4096x8xi32>
    %add3A_49 = arith.addi %add3A_44, %concatenate3A_48 : vector<4096x8xi32>
    %broadcast_in_dim3A_50 = arith.constant 0 : i32
    %broadcast_in_dim3A_51 = vector.broadcast %broadcast_in_dim3A_50 : i32 to vector<32x8xi32>
    %slice3A_52 = vector.extract_strided_slice %add3A_49 {offsets = [0, 0], sizes = [4064, 8], strides = [1, 1]} : vector<4096x8xi32> to vector<4064x8xi32>
    %concatenate3A_53 = tpu.concatenate %broadcast_in_dim3A_51, %slice3A_52 in 0 : vector<32x8xi32>, vector<4064x8xi32> -> vector<4096x8xi32>
    %add3A_54 = arith.addi %add3A_49, %concatenate3A_53 : vector<4096x8xi32>
    %broadcast_in_dim3A_55 = arith.constant 0 : i32
    %broadcast_in_dim3A_56 = vector.broadcast %broadcast_in_dim3A_55 : i32 to vector<64x8xi32>
    %slice3A_57 = vector.extract_strided_slice %add3A_54 {offsets = [0, 0], sizes = [4032, 8], strides = [1, 1]} : vector<4096x8xi32> to vector<4032x8xi32>
    %concatenate3A_58 = tpu.concatenate %broadcast_in_dim3A_56, %slice3A_57 in 0 : vector<64x8xi32>, vector<4032x8xi32> -> vector<4096x8xi32>
    %add3A_59 = arith.addi %add3A_54, %concatenate3A_58 : vector<4096x8xi32>
    %broadcast_in_dim3A_60 = arith.constant 0 : i32
    %broadcast_in_dim3A_61 = vector.broadcast %broadcast_in_dim3A_60 : i32 to vector<128x8xi32>
    %slice3A_62 = vector.extract_strided_slice %add3A_59 {offsets = [0, 0], sizes = [3968, 8], strides = [1, 1]} : vector<4096x8xi32> to vector<3968x8xi32>
    %concatenate3A_63 = tpu.concatenate %broadcast_in_dim3A_61, %slice3A_62 in 0 : vector<128x8xi32>, vector<3968x8xi32> -> vector<4096x8xi32>
    %add3A_64 = arith.addi %add3A_59, %concatenate3A_63 : vector<4096x8xi32>
    %broadcast_in_dim3A_65 = arith.constant 0 : i32
    %broadcast_in_dim3A_66 = vector.broadcast %broadcast_in_dim3A_65 : i32 to vector<256x8xi32>
    %slice3A_67 = vector.extract_strided_slice %add3A_64 {offsets = [0, 0], sizes = [3840, 8], strides = [1, 1]} : vector<4096x8xi32> to vector<3840x8xi32>
    %concatenate3A_68 = tpu.concatenate %broadcast_in_dim3A_66, %slice3A_67 in 0 : vector<256x8xi32>, vector<3840x8xi32> -> vector<4096x8xi32>
    %add3A_69 = arith.addi %add3A_64, %concatenate3A_68 : vector<4096x8xi32>
    %broadcast_in_dim3A_70 = arith.constant 0 : i32
    %broadcast_in_dim3A_71 = vector.broadcast %broadcast_in_dim3A_70 : i32 to vector<512x8xi32>
    %slice3A_72 = vector.extract_strided_slice %add3A_69 {offsets = [0, 0], sizes = [3584, 8], strides = [1, 1]} : vector<4096x8xi32> to vector<3584x8xi32>
    %concatenate3A_73 = tpu.concatenate %broadcast_in_dim3A_71, %slice3A_72 in 0 : vector<512x8xi32>, vector<3584x8xi32> -> vector<4096x8xi32>
    %add3A_74 = arith.addi %add3A_69, %concatenate3A_73 : vector<4096x8xi32>
    %broadcast_in_dim3A_75 = arith.constant 0 : i32
    %broadcast_in_dim3A_76 = vector.broadcast %broadcast_in_dim3A_75 : i32 to vector<1024x8xi32>
    %slice3A_77 = vector.extract_strided_slice %add3A_74 {offsets = [0, 0], sizes = [3072, 8], strides = [1, 1]} : vector<4096x8xi32> to vector<3072x8xi32>
    %concatenate3A_78 = tpu.concatenate %broadcast_in_dim3A_76, %slice3A_77 in 0 : vector<1024x8xi32>, vector<3072x8xi32> -> vector<4096x8xi32>
    %add3A_79 = arith.addi %add3A_74, %concatenate3A_78 : vector<4096x8xi32>
    %broadcast_in_dim3A_80 = arith.constant 0 : i32
    %broadcast_in_dim3A_81 = vector.broadcast %broadcast_in_dim3A_80 : i32 to vector<2048x8xi32>
    %slice3A_82 = vector.extract_strided_slice %add3A_79 {offsets = [0, 0], sizes = [2048, 8], strides = [1, 1]} : vector<4096x8xi32> to vector<2048x8xi32>
    %concatenate3A_83 = tpu.concatenate %broadcast_in_dim3A_81, %slice3A_82 in 0 : vector<2048x8xi32>, vector<2048x8xi32> -> vector<4096x8xi32>
    %add3A_84 = arith.addi %add3A_79, %concatenate3A_83 : vector<4096x8xi32>
    %mul3A = arith.muli %convert_element_type3A_26, %add3A_84 : vector<4096x8xi32>
    %reduce_sum3A = arith.constant dense<0> : vector<4096xi32>
    %reduce_sum3A_85 = vector.multi_reduction <add>, %mul3A, %reduce_sum3A [1] : vector<4096x8xi32> to vector<4096xi32>
    %sub3A = arith.constant 1 : i32
    %sub3A_86 = vector.broadcast %sub3A : i32 to vector<4096xi32>
    %sub3A_87 = arith.subi %reduce_sum3A_85, %sub3A_86 : vector<4096xi32>
    %slice3A_88 = vector.extract_strided_slice %add3A_84 {offsets = [4095, 0], sizes = [1, 8], strides = [1, 1]} : vector<4096x8xi32> to vector<1x8xi32>
    %add3A_89 = arith.constant 512 : i32
    %add3A_90 = vector.broadcast %add3A_89 : i32 to vector<1x8xi32>
    %add3A_91 = arith.addi %slice3A_88, %add3A_90 : vector<1x8xi32>
    %sub3A_92 = arith.constant 1 : i32
    %sub3A_93 = vector.broadcast %sub3A_92 : i32 to vector<1x8xi32>
    %sub3A_94 = arith.subi %add3A_91, %sub3A_93 : vector<1x8xi32>
    %jit3A = arith.constant 512 : i32
    %div3A = vector.broadcast %jit3A : i32 to vector<1x8xi32>
    %div3A_95 = arith.divsi %sub3A_94, %div3A : vector<1x8xi32>
    %sign3A = arith.constant 0 : i32
    %sign3A_96 = vector.broadcast %sign3A : i32 to vector<1x8xi32>
    %sign3A_97 = arith.cmpi sgt, %sub3A_94, %sign3A_96 : vector<1x8xi32>
    %sign3A_98 = arith.extui %sign3A_97 : vector<1x8xi1> to vector<1x8xi32>
    %sign3A_99 = arith.constant 0 : i32
    %sign3A_100 = vector.broadcast %sign3A_99 : i32 to vector<1x8xi32>
    %sign3A_101 = arith.cmpi slt, %sub3A_94, %sign3A_100 : vector<1x8xi32>
    %sign3A_102 = arith.extui %sign3A_101 : vector<1x8xi1> to vector<1x8xi32>
    %sign3A_103 = arith.subi %sign3A_98, %sign3A_102 : vector<1x8xi32>
    %sign3A_104 = arith.constant 0 : i32
    %sign3A_105 = arith.cmpi sgt, %jit3A, %sign3A_104 : i32
    %sign3A_106 = arith.extui %sign3A_105 : i1 to i32
    %sign3A_107 = arith.constant 0 : i32
    %sign3A_108 = arith.cmpi slt, %jit3A, %sign3A_107 : i32
    %sign3A_109 = arith.extui %sign3A_108 : i1 to i32
    %sign3A_110 = arith.subi %sign3A_106, %sign3A_109 : i32
    %ne3A = vector.broadcast %sign3A_110 : i32 to vector<1x8xi32>
    %ne3A_111 = arith.cmpi ne, %sign3A_103, %ne3A : vector<1x8xi32>
    %rem3A = vector.broadcast %jit3A : i32 to vector<1x8xi32>
    %rem3A_112 = arith.remsi %sub3A_94, %rem3A : vector<1x8xi32>
    %ne3A_113 = arith.constant 0 : i32
    %ne3A_114 = vector.broadcast %ne3A_113 : i32 to vector<1x8xi32>
    %ne3A_115 = arith.cmpi ne, %rem3A_112, %ne3A_114 : vector<1x8xi32>
    %and3A = arith.andi %ne3A_111, %ne3A_115 : vector<1x8xi1>
    %sub3A_116 = arith.constant 1 : i32
    %sub3A_117 = vector.broadcast %sub3A_116 : i32 to vector<1x8xi32>
    %sub3A_118 = arith.subi %div3A_95, %sub3A_117 : vector<1x8xi32>
    %select_n3A = arith.select %and3A, %sub3A_118, %div3A_95 : vector<1x8xi1>, vector<1x8xi32>
    %mul3A_119 = arith.constant 512 : i32
    %mul3A_120 = vector.broadcast %mul3A_119 : i32 to vector<1x8xi32>
    %mul3A_121 = arith.muli %select_n3A, %mul3A_120 : vector<1x8xi32>
    %broadcast_in_dim3A_122 = arith.constant 0 : i32
    %broadcast_in_dim3A_123 = vector.broadcast %broadcast_in_dim3A_122 : i32 to vector<1x1xi32>
    %slice3A_124 = vector.extract_strided_slice %mul3A_121 {offsets = [0, 0], sizes = [1, 7], strides = [1, 1]} : vector<1x8xi32> to vector<1x7xi32>
    %concatenate3A_125 = tpu.concatenate %broadcast_in_dim3A_123, %slice3A_124 in 1 : vector<1x1xi32>, vector<1x7xi32> -> vector<1x8xi32>
    %add3A_126 = arith.addi %mul3A_121, %concatenate3A_125 : vector<1x8xi32>
    %broadcast_in_dim3A_127 = arith.constant 0 : i32
    %broadcast_in_dim3A_128 = vector.broadcast %broadcast_in_dim3A_127 : i32 to vector<1x2xi32>
    %slice3A_129 = vector.extract_strided_slice %add3A_126 {offsets = [0, 0], sizes = [1, 6], strides = [1, 1]} : vector<1x8xi32> to vector<1x6xi32>
    %concatenate3A_130 = tpu.concatenate %broadcast_in_dim3A_128, %slice3A_129 in 1 : vector<1x2xi32>, vector<1x6xi32> -> vector<1x8xi32>
    %add3A_131 = arith.addi %add3A_126, %concatenate3A_130 : vector<1x8xi32>
    %broadcast_in_dim3A_132 = arith.constant 0 : i32
    %broadcast_in_dim3A_133 = vector.broadcast %broadcast_in_dim3A_132 : i32 to vector<1x4xi32>
    %slice3A_134 = vector.extract_strided_slice %add3A_131 {offsets = [0, 0], sizes = [1, 4], strides = [1, 1]} : vector<1x8xi32> to vector<1x4xi32>
    %concatenate3A_135 = tpu.concatenate %broadcast_in_dim3A_133, %slice3A_134 in 1 : vector<1x4xi32>, vector<1x4xi32> -> vector<1x8xi32>
    %add3A_136 = arith.addi %add3A_131, %concatenate3A_135 : vector<1x8xi32>
    %sub3A_137 = arith.subi %add3A_136, %mul3A_121 : vector<1x8xi32>
    %mul3A_138 = vector.broadcast %sub3A_137 : vector<1x8xi32> to vector<4096x8xi32>
    %mul3A_139 = arith.muli %convert_element_type3A_26, %mul3A_138 : vector<4096x8xi32>
    %reduce_sum3A_140 = arith.constant dense<0> : vector<4096xi32>
    %reduce_sum3A_141 = vector.multi_reduction <add>, %mul3A_139, %reduce_sum3A_140 [1] : vector<4096x8xi32> to vector<4096xi32>
    %add3A_142 = arith.addi %sub3A_87, %reduce_sum3A_141 : vector<4096xi32>
    %swap3A_143 = arith.constant 0 : index
    %swap3A_144 = vector.load %arg3[%swap3A_143] : memref<4096xi32, #tpu.memory_space<vmem>>, vector<4096xi32>
    tpu.vector_store %arg3[%swap3A_143], %add3A_142 {strides = array<i32>} : memref<4096xi32, #tpu.memory_space<vmem>>, vector<4096xi32>,
    %jit3A_145 = arith.constant 512 : i32
    %div3A_146 = vector.broadcast %jit3A_145 : i32 to vector<1x8xi32>
    %div3A_147 = arith.divsi %sub3A_137, %div3A_146 : vector<1x8xi32>
    %sign3A_148 = arith.constant 0 : i32
    %sign3A_149 = vector.broadcast %sign3A_148 : i32 to vector<1x8xi32>
    %sign3A_150 = arith.cmpi sgt, %sub3A_137, %sign3A_149 : vector<1x8xi32>
    %sign3A_151 = arith.extui %sign3A_150 : vector<1x8xi1> to vector<1x8xi32>
    %sign3A_152 = arith.constant 0 : i32
    %sign3A_153 = vector.broadcast %sign3A_152 : i32 to vector<1x8xi32>
    %sign3A_154 = arith.cmpi slt, %sub3A_137, %sign3A_153 : vector<1x8xi32>
    %sign3A_155 = arith.extui %sign3A_154 : vector<1x8xi1> to vector<1x8xi32>
    %sign3A_156 = arith.subi %sign3A_151, %sign3A_155 : vector<1x8xi32>
    %sign3A_157 = arith.constant 0 : i32
    %sign3A_158 = arith.cmpi sgt, %jit3A_145, %sign3A_157 : i32
    %sign3A_159 = arith.extui %sign3A_158 : i1 to i32
    %sign3A_160 = arith.constant 0 : i32
    %sign3A_161 = arith.cmpi slt, %jit3A_145, %sign3A_160 : i32
    %sign3A_162 = arith.extui %sign3A_161 : i1 to i32
    %sign3A_163 = arith.subi %sign3A_159, %sign3A_162 : i32
    %ne3A_164 = vector.broadcast %sign3A_163 : i32 to vector<1x8xi32>
    %ne3A_165 = arith.cmpi ne, %sign3A_156, %ne3A_164 : vector<1x8xi32>
    %rem3A_166 = vector.broadcast %jit3A_145 : i32 to vector<1x8xi32>
    %rem3A_167 = arith.remsi %sub3A_137, %rem3A_166 : vector<1x8xi32>
    %ne3A_168 = arith.constant 0 : i32
    %ne3A_169 = vector.broadcast %ne3A_168 : i32 to vector<1x8xi32>
    %ne3A_170 = arith.cmpi ne, %rem3A_167, %ne3A_169 : vector<1x8xi32>
    %and3A_171 = arith.andi %ne3A_165, %ne3A_170 : vector<1x8xi1>
    %sub3A_172 = arith.constant 1 : i32
    %sub3A_173 = vector.broadcast %sub3A_172 : i32 to vector<1x8xi32>
    %sub3A_174 = arith.subi %div3A_147, %sub3A_173 : vector<1x8xi32>
    %select_n3A_175 = arith.select %and3A_171, %sub3A_174, %div3A_147 : vector<1x8xi1>, vector<1x8xi32>
    %reduce_sum3A_176 = arith.constant dense<0> : vector<1xi32>
    %reduce_sum3A_177 = vector.multi_reduction <add>, %mul3A_121, %reduce_sum3A_176 [1] : vector<1x8xi32> to vector<1xi32>
    %broadcast_in_dim3A_178 = vector.shape_cast %reduce_sum3A_177 : vector<1xi32> to vector<1x1xi32>
    %jit3A_179 = arith.constant 512 : i32
    %div3A_180 = vector.broadcast %jit3A_179 : i32 to vector<1x1xi32>
    %div3A_181 = arith.divsi %broadcast_in_dim3A_178, %div3A_180 : vector<1x1xi32>
    %sign3A_182 = arith.constant 0 : i32
    %sign3A_183 = vector.broadcast %sign3A_182 : i32 to vector<1x1xi32>
    %sign3A_184 = arith.cmpi sgt, %broadcast_in_dim3A_178, %sign3A_183 : vector<1x1xi32>
    %sign3A_185 = arith.extui %sign3A_184 : vector<1x1xi1> to vector<1x1xi32>
    %sign3A_186 = arith.constant 0 : i32
    %sign3A_187 = vector.broadcast %sign3A_186 : i32 to vector<1x1xi32>
    %sign3A_188 = arith.cmpi slt, %broadcast_in_dim3A_178, %sign3A_187 : vector<1x1xi32>
    %sign3A_189 = arith.extui %sign3A_188 : vector<1x1xi1> to vector<1x1xi32>
    %sign3A_190 = arith.subi %sign3A_185, %sign3A_189 : vector<1x1xi32>
    %sign3A_191 = arith.constant 0 : i32
    %sign3A_192 = arith.cmpi sgt, %jit3A_179, %sign3A_191 : i32
    %sign3A_193 = arith.extui %sign3A_192 : i1 to i32
    %sign3A_194 = arith.constant 0 : i32
    %sign3A_195 = arith.cmpi slt, %jit3A_179, %sign3A_194 : i32
    %sign3A_196 = arith.extui %sign3A_195 : i1 to i32
    %sign3A_197 = arith.subi %sign3A_193, %sign3A_196 : i32
    %ne3A_198 = vector.broadcast %sign3A_197 : i32 to vector<1x1xi32>
    %ne3A_199 = arith.cmpi ne, %sign3A_190, %ne3A_198 : vector<1x1xi32>
    %rem3A_200 = vector.broadcast %jit3A_179 : i32 to vector<1x1xi32>
    %rem3A_201 = arith.remsi %broadcast_in_dim3A_178, %rem3A_200 : vector<1x1xi32>
    %ne3A_202 = arith.constant 0 : i32
    %ne3A_203 = vector.broadcast %ne3A_202 : i32 to vector<1x1xi32>
    %ne3A_204 = arith.cmpi ne, %rem3A_201, %ne3A_203 : vector<1x1xi32>
    %and3A_205 = arith.andi %ne3A_199, %ne3A_204 : vector<1x1xi1>
    %sub3A_206 = arith.constant 1 : i32
    %sub3A_207 = vector.broadcast %sub3A_206 : i32 to vector<1x1xi32>
    %sub3A_208 = arith.subi %div3A_181, %sub3A_207 : vector<1x1xi32>
    %select_n3A_209 = arith.select %and3A_205, %sub3A_208, %div3A_181 : vector<1x1xi1>, vector<1x1xi32>
    %iota3A_210 = tpu.iota {dimensions = array<i32: 0>} : vector<16x8xi32>
    %sub3A_211 = arith.constant 1 : i32
    %sub3A_212 = vector.broadcast %sub3A_211 : i32 to vector<1x1xi32>
    %sub3A_213 = arith.subi %select_n3A_209, %sub3A_212 : vector<1x1xi32>
    %min3A = vector.broadcast %sub3A_213 : vector<1x1xi32> to vector<16x8xi32>
    %min3A_214 = arith.minsi %iota3A_210, %min3A : vector<16x8xi32>
    %ge3A = vector.broadcast %select_n3A_175 : vector<1x8xi32> to vector<16x8xi32>
    %ge3A_215 = arith.cmpi sge, %min3A_214, %ge3A : vector<16x8xi32>
    %convert_element_type3A_216 = arith.extui %ge3A_215 : vector<16x8xi1> to vector<16x8xi32>
    %reduce_sum3A_217 = arith.constant dense<0> : vector<16xi32>
    %reduce_sum3A_218 = vector.multi_reduction <add>, %convert_element_type3A_216, %reduce_sum3A_217 [1] : vector<16x8xi32> to vector<16xi32>
    %broadcast_in_dim3A_219 = vector.shape_cast %reduce_sum3A_218 : vector<16xi32> to vector<16x1xi32>
    %sub3A_220 = arith.constant 1 : i32
    %sub3A_221 = vector.broadcast %sub3A_220 : i32 to vector<16x1xi32>
    %sub3A_222 = arith.subi %broadcast_in_dim3A_219, %sub3A_221 : vector<16x1xi32>
    %swap3A_223 = arith.constant 0 : index
    %swap3A_224 = arith.constant 0 : index
    %swap3A_225 = vector.load %arg4[%swap3A_223, %swap3A_224] : memref<16x1xi32, #tpu.memory_space<vmem>>, vector<16x1xi32>
    tpu.vector_store %arg4[%swap3A_223, %swap3A_224], %sub3A_222 {strides = array<i32>} : memref<16x1xi32, #tpu.memory_space<vmem>>, vector<16x1xi32>,
    %swap3A_226 = arith.constant 0 : index
    %swap3A_227 = arith.constant 0 : index
    %swap3A_228 = vector.load %arg5[%swap3A_226, %swap3A_227] : memref<1x1xi32, #tpu.memory_space<vmem>>, vector<1x1xi32>
    tpu.vector_store %arg5[%swap3A_226, %swap3A_227], %select_n3A_209 {strides = array<i32>} : memref<1x1xi32, #tpu.memory_space<vmem>>, vector<1x1xi32>,
    return
  }
}

</mosaic_0001>

<sc_bundles>
// kernel: kernel.6.cloned.1.call-start
scs
__scs_entry_jumppad:
0x0: {  	(pc) =	sbr.rel $0x88, $3  }
0x1: {  	(tag) =	ssettag $0x0;
	lr =	simm.s32 $0x1  }
0x2: {  	[smem:$0x3F9C] =	sst lr;
	_ =	strace $0xD0000000  }
0x3: {  	_ = 	snop  }
0x4: {  	_ = 	snop  }
0x5: {  	_ = 	snop  }
0x6: {  	_ = 	snop  }
0x7: {  	_ = 	snop  }
__scs_overlays_trampoline_lowered:
0x8: {  	[smem:$0x3FAB] =	sst s0  }
0x9: {  	[smem:$0x3FAC] =	sst s1  }
0xa: {  	[smem:$0x3FAD] =	sst s2  }
0xb: {  	[smem:$0x3FAE] =	sst s3  }
0xc: {  	[smem:$0x3FAF] =	sst s4  }
0xd: {  	[smem:$0x3FB0] =	sst s5  }
0xe: {  	[smem:$0x3FB1] =	sst s6  }
0xf: {  	[smem:$0x3FB2] =	sst s7  }
0x10: {  	[smem:$0x3FB3] =	sst s8  }
0x11: {  	[smem:$0x3FB4] =	sst s9;
	s0 =	simm.s32 @!p0 $0x0  }
0x12: {  	s1 =	sld [smem:$0x3F9A];
	s0 =	simm.s32 @p0 $0x1  }
0x13: {  	[smem:$0x3FB5] =	sst s0;
	s0 =	simm.s32 @!p1 $0x0  }
0x14: {  	s2 =	sld [smem:$0x3F99];
	s0 =	simm.s32 @p1 $0x1  }
0x15: {  	[smem:$0x3FB6] =	sst s0;
	s0 =	simm.s32 @!p2 $0x0  }
0x16: {  	s3 =	sld [smem:$0x3FDB];
	s0 =	simm.s32 @p2 $0x1  }
0x17: {  	s4 =	simm.s32 $0x1BF5;
	[smem:$0x3FB8] =	sst s0  }
0x18: {  	s0 =	sld [smem:$0x3F9B];
	_ =	swait.ge [sflag:s4], $0x0  }
0x19: {  	s7 =	sld [smem:$0x3F9C]  }
0x1a: {  	s8 =	sadd.s32 $0xFFFFE003, lr  }
0x1b: {  	s9 =	sadd.s32 $0xFFFFFEF7, lr;
	s5 =	simm.s32 $0xFFFFFFFF;
	p2 =	slt.u32 s8, $0xFFFFF086  }
0x1c: {  	p1 =	slt.u32 s9, $0xF7A;
	s5 =	simm.s32 @!p2 $0x0  }
0x1d: {  	s5 =	simm.s32 @p1 $0x1;
	p0 =	seq.s32 s7, s2  }
0x1e: {  	s7 =	smul.u32 @!p0 $0xF7A, s2;
	p2 =	seq.s32 @!p0 s5, $0x0  }
0x1f: {  	s9 =	smul.u32 $0xF7A, s1;
	s8 =	simm.s32 @!p0 $0x1BF5;
	p2 =	por !p2, p0  }
0x20: {  	[sflag:s8] =	ssyncset.s32 @!p0 $0xFFFFF086;
	s6 =	sadd.s32 @!p0 s3, s7;
	s7 =	simm.s32 @!p0 $0x108  }
0x21: {  	s3 =	sadd.s32 s3, s9;
	s6 =	sadd.s32 @!p0 $0x88, s6;
	s7 =	simm.s32 @p2 $0x1082  }
0x22: {  	[simem:s7], [sflag:s8] =	dma.local @!p0 [hbm:s6], $0xF7A  }
0x23: {  	s9 =	sor.u32 $0xD0000000, s2;
	s6 =	simm.s32 $0x108;
	_ =	swait.ge @!p0 [sflag:s8], $0x0  }
0x24: {  	s3 =	sadd.s32 $0x88, s3;
	s6 =	simm.s32 @!p1 $0x1082;
	[sflag:s4] =	ssyncset.s32 $0xFFFFF086  }
0x25: {  	[simem:s6], [sflag:s4] =	dma.local [hbm:s3], $0xF7A  }
0x26: {  	[smem:$0x3F9C] =	sst s1;
	(tag) =	ssettag s2;
	_ =	strace s9  }
0x27: {  	s1 =	sld [smem:$0x3FAC]  }
0x28: {  	s2 =	sld [smem:$0x3FAD]  }
0x29: {  	s4 =	sld [smem:$0x3FAF]  }
0x2a: {  	p0 =	seq.s32 s5, $0x0;
	s5 =	sld [smem:$0x3FB0]  }
0x2b: {  	s6 =	sld [smem:$0x3FB1]  }
0x2c: {  	s7 =	sld [smem:$0x3FB2]  }
0x2d: {  	s3 =	simm.s32 $0x108;
	s8 =	sld [smem:$0x3FB3]  }
0x2e: {  	s3 =	simm.s32 @!p0 $0x1082;
	s9 =	sld [smem:$0x3FB4]  }
0x2f: {  	lr =	sadd.s32 s0, s3;
	s0 =	sld [smem:$0x3FAB]  }
0x30: {  	s3 =	sld [smem:$0x3FAE]  }
0x31: {  	[smem:$0x3FB7] =	sst s10  }
0x32: {  	s10 =	sld [smem:$0x3FB5];
	_ =	sdelay $0x3  }
0x33: {  	p0 =	seq.s32 s10, $0x1;
	s10 =	sld [smem:$0x3FB7];
	_ =	sdelay $0x3  }
0x34: {  	[smem:$0x3FB7] =	sst s10  }
0x35: {  	s10 =	sld [smem:$0x3FB6];
	_ =	sdelay $0x3  }
0x36: {  	p1 =	seq.s32 s10, $0x1;
	s10 =	sld [smem:$0x3FB7];
	_ =	sdelay $0x3  }
0x37: {  	[smem:$0x3FB7] =	sst s10  }
0x38: {  	s10 =	sld [smem:$0x3FB8]  }
0x39: {  	_ = 	snop;
	(pc) =	sbr.ind lr, $3  }
0x3a: {  	_ = 	snop  }
0x3b: {  	_ = 	snop  }
0x3c: {  	p2 =	seq.s32 s10, $0x1;
	s10 =	sld [smem:$0x3FB7]  }
0x3d: {  	_ =	shalt  }
0x3e: {  	_ =	shalt  }
0x3f: {  	_ =	shalt  }
0x40: {  	_ =	shalt  }
0x41: {  	_ =	shalt  }
0x42: {  	_ =	shalt  }
0x43: {  	_ =	shalt  }
0x44: {  	_ =	shalt  }
0x45: {  	_ =	shalt  }
0x46: {  	_ =	shalt  }
0x47: {  	_ =	shalt  }
0x48: {  	_ =	shalt  }
0x49: {  	_ =	shalt  }
0x4a: {  	_ =	shalt  }
0x4b: {  	_ =	shalt  }
0x4c: {  	_ =	shalt  }
0x4d: {  	_ =	shalt  }
0x4e: {  	_ =	shalt  }
0x4f: {  	_ =	shalt  }
0x50: {  	_ =	shalt  }
0x51: {  	_ =	shalt  }
0x52: {  	_ =	shalt  }
0x53: {  	_ =	shalt  }
0x54: {  	_ =	shalt  }
0x55: {  	_ =	shalt  }
0x56: {  	_ =	shalt  }
0x57: {  	_ =	shalt  }
0x58: {  	_ =	shalt  }
0x59: {  	_ =	shalt  }
0x5a: {  	_ =	shalt  }
0x5b: {  	_ =	shalt  }
0x5c: {  	_ =	shalt  }
0x5d: {  	_ =	shalt  }
0x5e: {  	_ =	shalt  }
0x5f: {  	_ =	shalt  }
0x60: {  	_ =	shalt  }
0x61: {  	_ =	shalt  }
0x62: {  	_ =	shalt  }
0x63: {  	_ =	shalt  }
0x64: {  	_ =	shalt  }
0x65: {  	_ =	shalt  }
0x66: {  	_ =	shalt  }
0x67: {  	_ =	shalt  }
0x68: {  	_ =	shalt  }
0x69: {  	_ =	shalt  }
0x6a: {  	_ =	shalt  }
0x6b: {  	_ =	shalt  }
0x6c: {  	_ =	shalt  }
0x6d: {  	_ =	shalt  }
0x6e: {  	_ =	shalt  }
0x6f: {  	_ =	shalt  }
0x70: {  	_ =	shalt  }
0x71: {  	_ =	shalt  }
0x72: {  	_ =	shalt  }
0x73: {  	_ =	shalt  }
0x74: {  	_ =	shalt  }
0x75: {  	_ =	shalt  }
0x76: {  	_ =	shalt  }
0x77: {  	_ =	shalt  }
0x78: {  	_ =	shalt  }
0x79: {  	_ =	shalt  }
0x7a: {  	_ =	shalt  }
0x7b: {  	_ =	shalt  }
0x7c: {  	_ =	shalt  }
0x7d: {  	_ =	shalt  }
0x7e: {  	_ =	shalt  }
0x7f: {  	_ =	shalt  }
0x80: {  	_ =	shalt  }
0x81: {  	_ =	shalt  }
0x82: {  	_ =	shalt  }
0x83: {  	_ =	shalt  }
0x84: {  	_ =	shalt  }
0x85: {  	_ =	shalt  }
0x86: {  	_ =	shalt  }
0x87: {  	_ =	shalt  }
.Lfunc_end0:
.L_simem_size_0:
called_computation_lowered:
.L_overlay_start_0:
0x88: {  	s2 =	sld [smem:$0x3FD9]  }
0x89: {  	s3 =	sld [smem:$0x3FFE];
	_ =	sdelay $0x1  }
0x8a: {  	s1 =	srdreg.scid  }
0x8b: {  	s0 =	sand.u32 $0x1, s1  }
0x8c: {  	s17 =	sshll.u32 s0, $0xA;
	s2 =	sadd.s32 s3, s2  }
0x8d: {  	s2 =	sadd.s32 s2, s17  }
0x8e: {  	[smem:$0x3FC3] =	sst s2  }
0x8f: {  	_ = 	snop  }
0x90: {  	s2 =	sld [smem:$0x3FD0];
	(tm) =	ssettm $0x1  }
0x91: {  	s18 =	sld [smem:$0x3FFB];
	_ =	sdelay $0x3  }
0x92: {  	_ =	strace s18  }
0x93: {  	s3 =	sld [smem:$0x3FFC];
	_ =	sdelay $0x3  }
0x94: {  	_ =	strace s3  }
0x95: {  	s3 =	sld [smem:$0x3FFD];
	_ =	sdelay $0x3  }
0x96: {  	_ =	strace s3  }
0x97: {  	_ =	strace $0x8FFFFFFF  }
0x98: {  	s19 =	sld [smem:$0x3FDB];
	_ =	sdelay $0x1  }
0x99: {  	s4 =	simm.s32 $_scs_section_size  }
0x9a: {  	s5 =	simm.s32 $_size__tile_overlayer_lowered;
	s6 =	simm.s32 $_tile_overlayer_lowered  }
0x9b: {  	s22 =	simm.s32 $0x1BFF;
	s21 =	sshll.u32 s6, $0x1;
	s3 =	sadd.s32 s4, s19  }
0x9c: {  	s7 =	simm.s32 $0x0;
	s20 =	sshll.u32 s5, $0x1;
	s5 =	sadd.s32 s21, s3  }
0x9d: {  	[timem:s7], [sflag:s22] =	dma.local [hbm:s5], s20  }
0x9e: {  	_ =	swait.ge [sflag:s22], s20  }
0x9f: {  	s4 =	ssub.s32 $0x0, s20;
	[sflag:s22] =	ssyncset.done $0x0  }
0xa0: {  	[sflag:s22] =	ssyncadd.s32 s4;
	_ =	sdelay $0x1  }
0xa1: {  	s23 =	simm.s32 $0x1B8B  }
0xa2: {  	_ =	swait.ge [sflag:s23], $0x1  }
0xa3: {  	[sflag:s23] =	ssyncset.done $0x0  }
0xa4: {  	s25 =	simm.s32 $0x1B8E;
	s24 =	sld [smem:$0x3FFE];
	[sflag:s23] =	ssyncadd.s32 $0xFFFFFFFF  }
0xa5: {  	s26 =	simm.s32 $execute0_lowered;
	[smem:$0x3FD2] =	sst s25  }
0xa6: {  	s5 =	sshll.u32 s26, $0x1;
	_ =	strace $0x80000046;
	[dreg:$0x1] =	wrdreg $0xFFFFFFFF  }
0xa7: {  	s28 =	simm.s32 $_size_execute0_lowered;
	s3 =	sadd.s32 s3, s5;
	[dreg:$0x0] =	wrdreg $0x0  }
0xa8: {  	s5 =	sshll.u32 s28, $0x1;
	[dreg:$0x2] =	wrdreg s3  }
0xa9: {  	[dreg:$0x3] =	wrdreg s5  }
0xaa: {  	[dreg:$0x4] =	wrdreg $0xC0  }
0xab: {  	_ =	task [dreg:s7], $0x5FFFF  }
0xac: {  	[dreg:$0x1] =	wrdreg $0xFFFFFFFF  }
0xad: {  	[dreg:$0x0] =	wrdreg $0x60  }
0xae: {  	[dreg:$0x2] =	wrdreg s24  }
0xaf: {  	[dreg:$0x3] =	wrdreg s2  }
0xb0: {  	[dreg:$0x4] =	wrdreg $0x9  }
0xb1: {  	_ =	task.clear_ibuf [dreg:s7], $0x5FFFF;
	_ =	strace $0x90000046  }
0xb2: {  	s29 =	simm.s32 $0x9;
	_ =	strace $0x80000048  }
0xb3: {  	_ =	swait.ge [sflag:s29], $0x1  }
0xb4: {  	[sflag:s29] =	ssyncadd.s32 $0xFFFFFFFF  }
0xb5: {  	_ =	strace $0x90000048  }
0xb6: {  	_ =	sfence  }
0xb7: {  	s30 =	sld [smem:$0x0];
	_ =	sdelay $0x2  }
0xb8: {  	s31 =	sshll.u32 s1, $0xD;
	s1 =	sshrl.u32 s1, $0x2  }
0xb9: {  	s3 =	sand.u32 $0x4000, s31;
	s1 =	sadd.s32 s1, s30  }
0xba: {  	s0 =	sor.u32 s3, s0;
	s1 =	sshll.u32 s1, $0x11  }
0xbb: {  	s0 =	sor.u32 s1, s0  }
0xbc: {  	s0 =	sadd.s32 $0x8F2B, s0  }
0xbd: {  	[sflag:s0] =	ssyncadd.remote.s32 $0x1  }
0xbe: {  	_ =	sfence.sel $0xFFFF  }
0xbf: {  	[dreg:$0x0] =	wrdreg $0xFFFFFFFF;
	(pc) =	sbr.abs _section_cstart, $3  }
0xc0: {  	[dreg:$0x1] =	wrdreg $0xFFFFFFFF  }
0xc1: {  	_ =	task.clear_ibuf [dreg:s7], $0x2FFFF;
	_ =	strace $0x9FFFFFFF  }
0xc2: {  	(tm) =	ssettm $0x7FFFFFFF  }
0xc3: {  	_ =	shalt  }
tec
execute0_lowered:
.L_overlay_start_1:
0x0: {  	(tag) =	ssettag $0x1  }
0x1: {  	s1 =	srdreg.scid;
	s4 =	rddreg [dreg:$0x0]  }
0x2: {  	s0 =	stileid.u32;
	s2 =	rddreg [dreg:$0x1];
	s18 =	simm.s32 $0x10000  }
0x3: {  	s19 =	simm.s32 $0x800;
	s20 =	simm.s32 $0x1000;
	s21 =	simm.s32 $0x1800  }
0x4: {  	s23 =	simm.s32 $0x2000;
	s24 =	simm.s32 $0x2800;
	s25 =	simm.s32 $0x3000  }
0x5: {  	s26 =	simm.s32 $0x3800;
	s8 =	simm.s32 $0x4800;
	s9 =	simm.s32 $0x5000  }
0x6: {  	s10 =	simm.s32 $0x5800;
	s11 =	simm.s32 $0x6000;
	s1 =	sand.u32 $0x1, s1  }
0x7: {  	s12 =	simm.s32 $0x6800;
	s3 =	sshll.u32 s0, $0x8;
	s5 =	sshll.u32 s1, $0x7  }
0x8: {  	s13 =	simm.s32 $0x7000;
	s5 =	sor.u32 s5, s3;
	s3 =	simm.s32 $0x0  }
0x9: {  	s14 =	simm.s32 $0x7800;
	s15 =	simm.s32 $0x8000;
	[smem:$0x7FF] =	sst s3  }
0xa: {  	s16 =	simm.s32 $0x8800;
	_ =	strace $0x80000047;
	[dreg:$0x5] =	wrdreg s18  }
0xb: {  	s28 =	simm.s32 $0xE000;
	s29 =	simm.s32 $0xE800;
	[dreg:$0x6] =	wrdreg s19  }
0xc: {  	s30 =	simm.s32 $0xF000;
	s1 =	ssub.s32 $0x2, s1;
	[dreg:$0x7] =	wrdreg s20  }
0xd: {  	s31 =	simm.s32 $0xF800;
	s22 =	sshrl.u32 s1, $0x1;
	[dreg:$0x8] =	wrdreg s21  }
0xe: {  	s6 =	sshrl.u32 s5, $0x3;
	s5 =	sshll.u32 s5, $0x6;
	[dreg:$0x9] =	wrdreg s23  }
0xf: {  	s1 =	ssub.s32 s1, s22;
	s22 =	simm.s32 $0xB800;
	[dreg:$0xa] =	wrdreg s24  }
0x10: {  	s6 =	sadd.s32 s6, s4;
	s4 =	sadd.s32 s5, s4;
	[dreg:$0xb] =	wrdreg s25  }
0x11: {  	s5 =	smax.u32 s1, $0x1;
	[dreg:$0xc] =	wrdreg s26;
	s18 =	simm.s32 $0x9800  }
0x12: {  	s19 =	simm.s32 $0xA000;
	s20 =	simm.s32 $0xA800;
	s21 =	simm.s32 $0xB000  }
0x13: {  	s23 =	simm.s32 $0xC000;
	s24 =	simm.s32 $0xC800;
	s25 =	simm.s32 $0xD000  }
0x14: {  	v2 =	vlaneseq.u32;
	s26 =	simm.s32 $0xD800;
	s1 =	simm.s32 $0x1;
	s17 =	sadd.s32 $0x41200, s6  }
0x15: {  	vm0 =	vmmov $0xffff;
	v1 =	vshrl.u32 v2, $0x3;
	s4 =	sadd.s32 $0x1200, s4;
	s6 =	simm.s32 $0x2;
	[dreg:$0x3] =	wrdreg s17  }
0x16: {  	v0 =	vand.u32 $0x7, v2;
	v2 =	vor.u32 $0x8, v2;
	v1 =	vmul.u32 $0x8, v1;
	[dreg:$0x4] =	wrdreg s4;
	s4 =	sadd.s32 $0x100, s2;
	s17 =	simm.s32 $0x9000  }
.LBB2_1:
0x17: {  	s0 =	rddreg [dreg:$0x3]  }
0x18: {  	s7 =	rddreg [dreg:$0x5]  }
0x19: {  	[tilespmem:s7], [sflag:$0x2] =	stream.linear.gather [hbm4b:s0+s3], $0x80, $0x38;
	[tilespmem:$0x10080] =	vst v63  }
0x1a: {  	_ =	swait.ge [sflag:s6], $0x80  }
0x1b: {  	[sflag:s6] =	ssyncset.done $0x0  }
0x1c: {  	s7 =	rddreg [dreg:$0x4];
	[sflag:s6] =	ssyncadd.s32 $0xFFFFFF80  }
0x1d: {  	[tilespmem:s3], [sflag:$0x2] =	stream.linear.gather [hbm4b:s7+s3], $0x10000, $0x38;
	[tilespmem:$0x10080] =	vst v63  }
0x1e: {  	_ =	swait.ge [sflag:s6], $0x10000  }
0x1f: {  	[sflag:s6] =	ssyncset.done $0x0  }
0x20: {  	[sflag:s6] =	ssyncadd.s32 $0xFFFF0000  }
0x21: {  	v3 =	vld [tilespmem:$0x10000];
	_ =	sdelay $0x4  }
0x22: {  	v4 =	vshll.u32 v3, $0x2  }
0x23: {  	v3 =	vand.u32 $0x7, v3;
	v4 =	vand.u32 $0xFFFFFFE0, v4  }
0x24: {  	v3 =	vor.u32 v3, v4  }
0x25: {  	v4 =	vperm.xlane v3, v0;
	_ =	sdelay $0x1  }
0x26: {  	v4 =	vadd.s32 v1, v4;
	_ =	sdelay $0x1  }
0x27: {  	v3 =	vperm.xlane v3, v2;
	_ =	sdelay $0x1  }
0x28: {  	v3 =	vadd.s32 v1, v3  }
0x29: {  	[hbm4b:s2+s3] =	stream.indirect_vreg.scatter [tilespmem:s3], [sflag:$0x1], $0x80, v4, vm0, $0xb8;
	[tilespmem:$0x10080] =	vst v63  }
0x2a: {  	s0 =	rddreg [dreg:$0x6]  }
0x2b: {  	[hbm4b:s4+s3] =	stream.indirect_vreg.scatter [tilespmem:s0], [sflag:$0x1], $0x80, v4, vm0, $0xb8;
	[tilespmem:$0x10080] =	vst v63  }
0x2c: {  	s7 =	rddreg [dreg:$0x7]  }
0x2d: {  	[hbm4b:s2+s3] =	stream.indirect_vreg.scatter [tilespmem:s7], [sflag:$0x1], $0x80, v3, vm0, $0xb8;
	[tilespmem:$0x10080] =	vst v63  }
0x2e: {  	s0 =	rddreg [dreg:$0x8]  }
0x2f: {  	[hbm4b:s4+s3] =	stream.indirect_vreg.scatter [tilespmem:s0], [sflag:$0x1], $0x80, v3, vm0, $0xb8;
	[tilespmem:$0x10080] =	vst v63  }
0x30: {  	v3 =	vld [tilespmem:$0x10010];
	_ =	sdelay $0x4  }
0x31: {  	v57 =	vshll.u32 v3, $0x2  }
0x32: {  	v3 =	vand.u32 $0x7, v3;
	v4 =	vand.u32 $0xFFFFFFE0, v57  }
0x33: {  	v3 =	vor.u32 v3, v4  }
0x34: {  	v4 =	vperm.xlane v3, v0;
	_ =	sdelay $0x1  }
0x35: {  	v4 =	vadd.s32 v1, v4;
	_ =	sdelay $0x1  }
0x36: {  	v3 =	vperm.xlane v3, v2;
	_ =	sdelay $0x1  }
0x37: {  	s0 =	rddreg [dreg:$0x9];
	v3 =	vadd.s32 v1, v3  }
0x38: {  	[hbm4b:s2+s3] =	stream.indirect_vreg.scatter [tilespmem:s0], [sflag:$0x1], $0x80, v4, vm0, $0xb8;
	[tilespmem:$0x10080] =	vst v63  }
0x39: {  	s7 =	rddreg [dreg:$0xa]  }
0x3a: {  	[hbm4b:s4+s3] =	stream.indirect_vreg.scatter [tilespmem:s7], [sflag:$0x1], $0x80, v4, vm0, $0xb8;
	[tilespmem:$0x10080] =	vst v63  }
0x3b: {  	s0 =	rddreg [dreg:$0xb]  }
0x3c: {  	[hbm4b:s2+s3] =	stream.indirect_vreg.scatter [tilespmem:s0], [sflag:$0x1], $0x80, v3, vm0, $0xb8;
	[tilespmem:$0x10080] =	vst v63  }
0x3d: {  	s7 =	rddreg [dreg:$0xc]  }
0x3e: {  	[hbm4b:s4+s3] =	stream.indirect_vreg.scatter [tilespmem:s7], [sflag:$0x1], $0x80, v3, vm0, $0xb8;
	[tilespmem:$0x10080] =	vst v63  }
0x3f: {  	v3 =	vld [tilespmem:$0x10020];
	_ =	sdelay $0x4  }
0x40: {  	v58 =	vshll.u32 v3, $0x2  }
0x41: {  	v3 =	vand.u32 $0x7, v3;
	v4 =	vand.u32 $0xFFFFFFE0, v58  }
0x42: {  	v3 =	vor.u32 v3, v4  }
0x43: {  	v4 =	vperm.xlane v3, v0;
	_ =	sdelay $0x1  }
0x44: {  	v4 =	vadd.s32 v1, v4;
	_ =	sdelay $0x1  }
0x45: {  	v3 =	vperm.xlane v3, v2;
	_ =	sdelay $0x1  }
0x46: {  	s7 =	simm.s32 $0x4000;
	v3 =	vadd.s32 v1, v3  }
0x47: {  	[hbm4b:s2+s3] =	stream.indirect_vreg.scatter [tilespmem:s7], [sflag:$0x1], $0x80, v4, vm0, $0xb8;
	[tilespmem:$0x10080] =	vst v63  }
0x48: {  	_ = 	snop  }
0x49: {  	[hbm4b:s4+s3] =	stream.indirect_vreg.scatter [tilespmem:s8], [sflag:$0x1], $0x80, v4, vm0, $0xb8;
	[tilespmem:$0x10080] =	vst v63  }
0x4a: {  	_ = 	snop  }
0x4b: {  	[hbm4b:s2+s3] =	stream.indirect_vreg.scatter [tilespmem:s9], [sflag:$0x1], $0x80, v3, vm0, $0xb8;
	[tilespmem:$0x10080] =	vst v63  }
0x4c: {  	_ = 	snop  }
0x4d: {  	[hbm4b:s4+s3] =	stream.indirect_vreg.scatter [tilespmem:s10], [sflag:$0x1], $0x80, v3, vm0, $0xb8;
	[tilespmem:$0x10080] =	vst v63  }
0x4e: {  	v3 =	vld [tilespmem:$0x10030];
	_ =	sdelay $0x4  }
0x4f: {  	v59 =	vshll.u32 v3, $0x2  }
0x50: {  	v3 =	vand.u32 $0x7, v3;
	v4 =	vand.u32 $0xFFFFFFE0, v59  }
0x51: {  	v3 =	vor.u32 v3, v4  }
0x52: {  	v4 =	vperm.xlane v3, v0;
	_ =	sdelay $0x1  }
0x53: {  	v4 =	vadd.s32 v1, v4;
	_ =	sdelay $0x1  }
0x54: {  	v3 =	vperm.xlane v3, v2;
	_ =	sdelay $0x1  }
0x55: {  	v3 =	vadd.s32 v1, v3  }
0x56: {  	[hbm4b:s2+s3] =	stream.indirect_vreg.scatter [tilespmem:s11], [sflag:$0x1], $0x80, v4, vm0, $0xb8;
	[tilespmem:$0x10080] =	vst v63  }
0x57: {  	_ = 	snop  }
0x58: {  	[hbm4b:s4+s3] =	stream.indirect_vreg.scatter [tilespmem:s12], [sflag:$0x1], $0x80, v4, vm0, $0xb8;
	[tilespmem:$0x10080] =	vst v63  }
0x59: {  	_ = 	snop  }
0x5a: {  	[hbm4b:s2+s3] =	stream.indirect_vreg.scatter [tilespmem:s13], [sflag:$0x1], $0x80, v3, vm0, $0xb8;
	[tilespmem:$0x10080] =	vst v63  }
0x5b: {  	_ = 	snop  }
0x5c: {  	[hbm4b:s4+s3] =	stream.indirect_vreg.scatter [tilespmem:s14], [sflag:$0x1], $0x80, v3, vm0, $0xb8;
	[tilespmem:$0x10080] =	vst v63  }
0x5d: {  	v3 =	vld [tilespmem:$0x10040];
	_ =	sdelay $0x4  }
0x5e: {  	v60 =	vshll.u32 v3, $0x2  }
0x5f: {  	v3 =	vand.u32 $0x7, v3;
	v4 =	vand.u32 $0xFFFFFFE0, v60  }
0x60: {  	v3 =	vor.u32 v3, v4  }
0x61: {  	v4 =	vperm.xlane v3, v0;
	_ =	sdelay $0x1  }
0x62: {  	v4 =	vadd.s32 v1, v4;
	_ =	sdelay $0x1  }
0x63: {  	v3 =	vperm.xlane v3, v2;
	_ =	sdelay $0x1  }
0x64: {  	v3 =	vadd.s32 v1, v3  }
0x65: {  	[hbm4b:s2+s3] =	stream.indirect_vreg.scatter [tilespmem:s15], [sflag:$0x1], $0x80, v4, vm0, $0xb8;
	[tilespmem:$0x10080] =	vst v63  }
0x66: {  	_ = 	snop  }
0x67: {  	[hbm4b:s4+s3] =	stream.indirect_vreg.scatter [tilespmem:s16], [sflag:$0x1], $0x80, v4, vm0, $0xb8;
	[tilespmem:$0x10080] =	vst v63  }
0x68: {  	_ = 	snop  }
0x69: {  	[hbm4b:s2+s3] =	stream.indirect_vreg.scatter [tilespmem:s17], [sflag:$0x1], $0x80, v3, vm0, $0xb8;
	[tilespmem:$0x10080] =	vst v63  }
0x6a: {  	_ = 	snop  }
0x6b: {  	[hbm4b:s4+s3] =	stream.indirect_vreg.scatter [tilespmem:s18], [sflag:$0x1], $0x80, v3, vm0, $0xb8;
	[tilespmem:$0x10080] =	vst v63  }
0x6c: {  	v3 =	vld [tilespmem:$0x10050];
	_ =	sdelay $0x4  }
0x6d: {  	v61 =	vshll.u32 v3, $0x2  }
0x6e: {  	v3 =	vand.u32 $0x7, v3;
	v4 =	vand.u32 $0xFFFFFFE0, v61  }
0x6f: {  	v3 =	vor.u32 v3, v4  }
0x70: {  	v4 =	vperm.xlane v3, v0;
	_ =	sdelay $0x1  }
0x71: {  	v4 =	vadd.s32 v1, v4;
	_ =	sdelay $0x1  }
0x72: {  	v3 =	vperm.xlane v3, v2;
	_ =	sdelay $0x1  }
0x73: {  	v3 =	vadd.s32 v1, v3  }
0x74: {  	[hbm4b:s2+s3] =	stream.indirect_vreg.scatter [tilespmem:s19], [sflag:$0x1], $0x80, v4, vm0, $0xb8;
	[tilespmem:$0x10080] =	vst v63  }
0x75: {  	_ = 	snop  }
0x76: {  	[hbm4b:s4+s3] =	stream.indirect_vreg.scatter [tilespmem:s20], [sflag:$0x1], $0x80, v4, vm0, $0xb8;
	[tilespmem:$0x10080] =	vst v63  }
0x77: {  	_ = 	snop  }
0x78: {  	[hbm4b:s2+s3] =	stream.indirect_vreg.scatter [tilespmem:s21], [sflag:$0x1], $0x80, v3, vm0, $0xb8;
	[tilespmem:$0x10080] =	vst v63  }
0x79: {  	_ = 	snop  }
0x7a: {  	[hbm4b:s4+s3] =	stream.indirect_vreg.scatter [tilespmem:s22], [sflag:$0x1], $0x80, v3, vm0, $0xb8;
	[tilespmem:$0x10080] =	vst v63  }
0x7b: {  	v3 =	vld [tilespmem:$0x10060];
	_ =	sdelay $0x4  }
0x7c: {  	v62 =	vshll.u32 v3, $0x2  }
0x7d: {  	v3 =	vand.u32 $0x7, v3;
	v4 =	vand.u32 $0xFFFFFFE0, v62  }
0x7e: {  	v3 =	vor.u32 v3, v4  }
0x7f: {  	v4 =	vperm.xlane v3, v0;
	_ =	sdelay $0x1  }
0x80: {  	v4 =	vadd.s32 v1, v4;
	_ =	sdelay $0x1  }
0x81: {  	v3 =	vperm.xlane v3, v2;
	_ =	sdelay $0x1  }
0x82: {  	v3 =	vadd.s32 v1, v3  }
0x83: {  	[hbm4b:s2+s3] =	stream.indirect_vreg.scatter [tilespmem:s23], [sflag:$0x1], $0x80, v4, vm0, $0xb8;
	[tilespmem:$0x10080] =	vst v63  }
0x84: {  	_ = 	snop  }
0x85: {  	[hbm4b:s4+s3] =	stream.indirect_vreg.scatter [tilespmem:s24], [sflag:$0x1], $0x80, v4, vm0, $0xb8;
	[tilespmem:$0x10080] =	vst v63  }
0x86: {  	_ = 	snop  }
0x87: {  	[hbm4b:s2+s3] =	stream.indirect_vreg.scatter [tilespmem:s25], [sflag:$0x1], $0x80, v3, vm0, $0xb8;
	[tilespmem:$0x10080] =	vst v63  }
0x88: {  	_ = 	snop  }
0x89: {  	[hbm4b:s4+s3] =	stream.indirect_vreg.scatter [tilespmem:s26], [sflag:$0x1], $0x80, v3, vm0, $0xb8;
	[tilespmem:$0x10080] =	vst v63  }
0x8a: {  	v3 =	vld [tilespmem:$0x10070];
	_ =	sdelay $0x4  }
0x8b: {  	v63 =	vshll.u32 v3, $0x2  }
0x8c: {  	v3 =	vand.u32 $0x7, v3;
	v4 =	vand.u32 $0xFFFFFFE0, v63  }
0x8d: {  	v3 =	vor.u32 v3, v4  }
0x8e: {  	v4 =	vperm.xlane v3, v0;
	_ =	sdelay $0x1  }
0x8f: {  	v4 =	vadd.s32 v1, v4;
	_ =	sdelay $0x1  }
0x90: {  	v3 =	vperm.xlane v3, v2;
	_ =	sdelay $0x1  }
0x91: {  	v3 =	vadd.s32 v1, v3  }
0x92: {  	[hbm4b:s2+s3] =	stream.indirect_vreg.scatter [tilespmem:s28], [sflag:$0x1], $0x80, v4, vm0, $0xb8;
	[tilespmem:$0x10080] =	vst v63  }
0x93: {  	_ = 	snop  }
0x94: {  	[hbm4b:s4+s3] =	stream.indirect_vreg.scatter [tilespmem:s29], [sflag:$0x1], $0x80, v4, vm0, $0xb8;
	[tilespmem:$0x10080] =	vst v63  }
0x95: {  	p0 =	sne.s32 s5, $0x1  }
0x96: {  	[hbm4b:s2+s3] =	stream.indirect_vreg.scatter [tilespmem:s30], [sflag:$0x1], $0x80, v3, vm0, $0xb8;
	[tilespmem:$0x10080] =	vst v63  }
.Ltmp0:
0x97: {  	_ = 	snop;
	(pc) =	sbr.rel @p0 .LBB2_1-.Ltmp0, $4  }
0x98: {  	[hbm4b:s4+s3] =	stream.indirect_vreg.scatter [tilespmem:s31], [sflag:$0x1], $0x80, v3, vm0, $0xb8;
	[tilespmem:$0x10080] =	vst v63  }
0x99: {  	_ =	swait.ge [sflag:s1], $0x10000  }
0x9a: {  	[sflag:s1] =	ssyncset.done $0x0  }
0x9b: {  	s5 =	sadd.s32 $0xFFFFFFFF, s5;
	[sflag:s1] =	ssyncadd.s32 $0xFFFF0000  }
0x9c: {  	_ =	sfence.sel $0x180000  }
0x9d: {  	[bflag:$0x0] =	sbarrier.arrive $0xFFFF  }
0x9e: {  	_ =	strace $0x90000047  }
0x9f: {  	s0 =	stileid.u32;
	[bflag:$0x2] =	sbarrier.arrive $0xFFFF  }
0xa0: {  	p0 =	sne.s32 s0, $0x0;
	s0 =	rddreg [dreg:$0x2]  }
0xa1: {  	s0 =	sadd.s32 @!p0 $0x100000, s0  }
0xa2: {  	[sflag:s0] =	ssyncadd.tile.s32 @!p0 $0x1;
	_ =	shalt  }
.Lfunc_end2:
_tile_overlayer_lowered:
.L_overlay_start_2:
0xa3: {  	(tag) =	ssettag $0x2  }
0xa4: {  	s0 =	rddreg [dreg:$0x0];
	s2 =	stileid.u32  }
0xa5: {  	s1 =	rddreg [dreg:$0x1];
	p0 =	sne.s32 s2, $0x0  }
0xa6: {  	s3 =	rddreg [dreg:$0x2];
	[bflag:$0x3] =	sbarrier.arrive $0xFFFF;
	s2 =	simm.s32 @!p0 $0x1C02  }
0xa7: {  	[timem:s3], [sflag:s2] =	dma.local @!p0 [hbm:s0], s1  }
0xa8: {  	s0 =	simm.s32 @!p0 $0x2  }
0xa9: {  	_ =	swait.ge @!p0 [sflag:s0], s1  }
0xaa: {  	s1 =	ssub.s32 @!p0 $0x0, s1;
	[sflag:s0] =	ssyncset.done @!p0 $0x0  }
0xab: {  	[sflag:s0] =	ssyncadd.s32 @!p0 s1  }
0xac: {  	[bflag:$0x3] =	sbarrier.arrive $0xFFFF  }
0xad: {  	_ =	shalt  }

// kernel: kernel.9.cloned.1.call-start
scs
__scs_entry_jumppad:
0x0: {  	(pc) =	sbr.rel $0x88, $3  }
0x1: {  	(tag) =	ssettag $0x0;
	lr =	simm.s32 $0x1  }
0x2: {  	[smem:$0x3F9C] =	sst lr;
	_ =	strace $0xD0000000  }
0x3: {  	_ = 	snop  }
0x4: {  	_ = 	snop  }
0x5: {  	_ = 	snop  }
0x6: {  	_ = 	snop  }
0x7: {  	_ = 	snop  }
__scs_overlays_trampoline_lowered:
0x8: {  	[smem:$0x3FAB] =	sst s0  }
0x9: {  	[smem:$0x3FAC] =	sst s1  }
0xa: {  	[smem:$0x3FAD] =	sst s2  }
0xb: {  	[smem:$0x3FAE] =	sst s3  }
0xc: {  	[smem:$0x3FAF] =	sst s4  }
0xd: {  	[smem:$0x3FB0] =	sst s5  }
0xe: {  	[smem:$0x3FB1] =	sst s6  }
0xf: {  	[smem:$0x3FB2] =	sst s7  }
0x10: {  	[smem:$0x3FB3] =	sst s8  }
0x11: {  	[smem:$0x3FB4] =	sst s9;
	s0 =	simm.s32 @!p0 $0x0  }
0x12: {  	s1 =	sld [smem:$0x3F9A];
	s0 =	simm.s32 @p0 $0x1  }
0x13: {  	[smem:$0x3FB5] =	sst s0;
	s0 =	simm.s32 @!p1 $0x0  }
0x14: {  	s2 =	sld [smem:$0x3F99];
	s0 =	simm.s32 @p1 $0x1  }
0x15: {  	[smem:$0x3FB6] =	sst s0;
	s0 =	simm.s32 @!p2 $0x0  }
0x16: {  	s3 =	sld [smem:$0x3FDB];
	s0 =	simm.s32 @p2 $0x1  }
0x17: {  	s4 =	simm.s32 $0x1BF5;
	[smem:$0x3FB8] =	sst s0  }
0x18: {  	s0 =	sld [smem:$0x3F9B];
	_ =	swait.ge [sflag:s4], $0x0  }
0x19: {  	s7 =	sld [smem:$0x3F9C]  }
0x1a: {  	s8 =	sadd.s32 $0xFFFFE003, lr  }
0x1b: {  	s9 =	sadd.s32 $0xFFFFFEF7, lr;
	s5 =	simm.s32 $0xFFFFFFFF;
	p2 =	slt.u32 s8, $0xFFFFF086  }
0x1c: {  	p1 =	slt.u32 s9, $0xF7A;
	s5 =	simm.s32 @!p2 $0x0  }
0x1d: {  	s5 =	simm.s32 @p1 $0x1;
	p0 =	seq.s32 s7, s2  }
0x1e: {  	s7 =	smul.u32 @!p0 $0xF7A, s2;
	p2 =	seq.s32 @!p0 s5, $0x0  }
0x1f: {  	s9 =	smul.u32 $0xF7A, s1;
	s8 =	simm.s32 @!p0 $0x1BF5;
	p2 =	por !p2, p0  }
0x20: {  	[sflag:s8] =	ssyncset.s32 @!p0 $0xFFFFF086;
	s6 =	sadd.s32 @!p0 s3, s7;
	s7 =	simm.s32 @!p0 $0x108  }
0x21: {  	s3 =	sadd.s32 s3, s9;
	s6 =	sadd.s32 @!p0 $0x88, s6;
	s7 =	simm.s32 @p2 $0x1082  }
0x22: {  	[simem:s7], [sflag:s8] =	dma.local @!p0 [hbm:s6], $0xF7A  }
0x23: {  	s9 =	sor.u32 $0xD0000000, s2;
	s6 =	simm.s32 $0x108;
	_ =	swait.ge @!p0 [sflag:s8], $0x0  }
0x24: {  	s3 =	sadd.s32 $0x88, s3;
	s6 =	simm.s32 @!p1 $0x1082;
	[sflag:s4] =	ssyncset.s32 $0xFFFFF086  }
0x25: {  	[simem:s6], [sflag:s4] =	dma.local [hbm:s3], $0xF7A  }
0x26: {  	[smem:$0x3F9C] =	sst s1;
	(tag) =	ssettag s2;
	_ =	strace s9  }
0x27: {  	s1 =	sld [smem:$0x3FAC]  }
0x28: {  	s2 =	sld [smem:$0x3FAD]  }
0x29: {  	s4 =	sld [smem:$0x3FAF]  }
0x2a: {  	p0 =	seq.s32 s5, $0x0;
	s5 =	sld [smem:$0x3FB0]  }
0x2b: {  	s6 =	sld [smem:$0x3FB1]  }
0x2c: {  	s7 =	sld [smem:$0x3FB2]  }
0x2d: {  	s3 =	simm.s32 $0x108;
	s8 =	sld [smem:$0x3FB3]  }
0x2e: {  	s3 =	simm.s32 @!p0 $0x1082;
	s9 =	sld [smem:$0x3FB4]  }
0x2f: {  	lr =	sadd.s32 s0, s3;
	s0 =	sld [smem:$0x3FAB]  }
0x30: {  	s3 =	sld [smem:$0x3FAE]  }
0x31: {  	[smem:$0x3FB7] =	sst s10  }
0x32: {  	s10 =	sld [smem:$0x3FB5];
	_ =	sdelay $0x3  }
0x33: {  	p0 =	seq.s32 s10, $0x1;
	s10 =	sld [smem:$0x3FB7];
	_ =	sdelay $0x3  }
0x34: {  	[smem:$0x3FB7] =	sst s10  }
0x35: {  	s10 =	sld [smem:$0x3FB6];
	_ =	sdelay $0x3  }
0x36: {  	p1 =	seq.s32 s10, $0x1;
	s10 =	sld [smem:$0x3FB7];
	_ =	sdelay $0x3  }
0x37: {  	[smem:$0x3FB7] =	sst s10  }
0x38: {  	s10 =	sld [smem:$0x3FB8]  }
0x39: {  	_ = 	snop;
	(pc) =	sbr.ind lr, $3  }
0x3a: {  	_ = 	snop  }
0x3b: {  	_ = 	snop  }
0x3c: {  	p2 =	seq.s32 s10, $0x1;
	s10 =	sld [smem:$0x3FB7]  }
0x3d: {  	_ =	shalt  }
0x3e: {  	_ =	shalt  }
0x3f: {  	_ =	shalt  }
0x40: {  	_ =	shalt  }
0x41: {  	_ =	shalt  }
0x42: {  	_ =	shalt  }
0x43: {  	_ =	shalt  }
0x44: {  	_ =	shalt  }
0x45: {  	_ =	shalt  }
0x46: {  	_ =	shalt  }
0x47: {  	_ =	shalt  }
0x48: {  	_ =	shalt  }
0x49: {  	_ =	shalt  }
0x4a: {  	_ =	shalt  }
0x4b: {  	_ =	shalt  }
0x4c: {  	_ =	shalt  }
0x4d: {  	_ =	shalt  }
0x4e: {  	_ =	shalt  }
0x4f: {  	_ =	shalt  }
0x50: {  	_ =	shalt  }
0x51: {  	_ =	shalt  }
0x52: {  	_ =	shalt  }
0x53: {  	_ =	shalt  }
0x54: {  	_ =	shalt  }
0x55: {  	_ =	shalt  }
0x56: {  	_ =	shalt  }
0x57: {  	_ =	shalt  }
0x58: {  	_ =	shalt  }
0x59: {  	_ =	shalt  }
0x5a: {  	_ =	shalt  }
0x5b: {  	_ =	shalt  }
0x5c: {  	_ =	shalt  }
0x5d: {  	_ =	shalt  }
0x5e: {  	_ =	shalt  }
0x5f: {  	_ =	shalt  }
0x60: {  	_ =	shalt  }
0x61: {  	_ =	shalt  }
0x62: {  	_ =	shalt  }
0x63: {  	_ =	shalt  }
0x64: {  	_ =	shalt  }
0x65: {  	_ =	shalt  }
0x66: {  	_ =	shalt  }
0x67: {  	_ =	shalt  }
0x68: {  	_ =	shalt  }
0x69: {  	_ =	shalt  }
0x6a: {  	_ =	shalt  }
0x6b: {  	_ =	shalt  }
0x6c: {  	_ =	shalt  }
0x6d: {  	_ =	shalt  }
0x6e: {  	_ =	shalt  }
0x6f: {  	_ =	shalt  }
0x70: {  	_ =	shalt  }
0x71: {  	_ =	shalt  }
0x72: {  	_ =	shalt  }
0x73: {  	_ =	shalt  }
0x74: {  	_ =	shalt  }
0x75: {  	_ =	shalt  }
0x76: {  	_ =	shalt  }
0x77: {  	_ =	shalt  }
0x78: {  	_ =	shalt  }
0x79: {  	_ =	shalt  }
0x7a: {  	_ =	shalt  }
0x7b: {  	_ =	shalt  }
0x7c: {  	_ =	shalt  }
0x7d: {  	_ =	shalt  }
0x7e: {  	_ =	shalt  }
0x7f: {  	_ =	shalt  }
0x80: {  	_ =	shalt  }
0x81: {  	_ =	shalt  }
0x82: {  	_ =	shalt  }
0x83: {  	_ =	shalt  }
0x84: {  	_ =	shalt  }
0x85: {  	_ =	shalt  }
0x86: {  	_ =	shalt  }
0x87: {  	_ =	shalt  }
.Lfunc_end0:
.L_simem_size_0:
called_computation.1_lowered:
.L_overlay_start_0:
0x88: {  	s2 =	sld [smem:$0x3FD9]  }
0x89: {  	s3 =	sld [smem:$0x3FFE];
	_ =	sdelay $0x1  }
0x8a: {  	s1 =	srdreg.scid  }
0x8b: {  	s0 =	sand.u32 $0x1, s1  }
0x8c: {  	s17 =	sshll.u32 s0, $0xA;
	s2 =	sadd.s32 s3, s2  }
0x8d: {  	s2 =	sadd.s32 s2, s17  }
0x8e: {  	[smem:$0x3FC3] =	sst s2  }
0x8f: {  	_ = 	snop  }
0x90: {  	s2 =	sld [smem:$0x3FD0];
	(tm) =	ssettm $0x1  }
0x91: {  	s18 =	sld [smem:$0x3FFB];
	_ =	sdelay $0x3  }
0x92: {  	_ =	strace s18  }
0x93: {  	s3 =	sld [smem:$0x3FFC];
	_ =	sdelay $0x3  }
0x94: {  	_ =	strace s3  }
0x95: {  	s3 =	sld [smem:$0x3FFD];
	_ =	sdelay $0x3  }
0x96: {  	_ =	strace s3  }
0x97: {  	_ =	strace $0x8FFFFFFF  }
0x98: {  	s19 =	sld [smem:$0x3FDB];
	_ =	sdelay $0x1  }
0x99: {  	s4 =	simm.s32 $_scs_section_size  }
0x9a: {  	s5 =	simm.s32 $_size__tile_overlayer_lowered;
	s6 =	simm.s32 $_tile_overlayer_lowered  }
0x9b: {  	s22 =	simm.s32 $0x1BFF;
	s21 =	sshll.u32 s6, $0x1;
	s3 =	sadd.s32 s4, s19  }
0x9c: {  	s7 =	simm.s32 $0x0;
	s20 =	sshll.u32 s5, $0x1;
	s5 =	sadd.s32 s21, s3  }
0x9d: {  	[timem:s7], [sflag:s22] =	dma.local [hbm:s5], s20  }
0x9e: {  	_ =	swait.ge [sflag:s22], s20  }
0x9f: {  	s4 =	ssub.s32 $0x0, s20;
	[sflag:s22] =	ssyncset.done $0x0  }
0xa0: {  	[sflag:s22] =	ssyncadd.s32 s4;
	_ =	sdelay $0x1  }
0xa1: {  	s23 =	simm.s32 $0x1B8B  }
0xa2: {  	_ =	swait.ge [sflag:s23], $0x1  }
0xa3: {  	[sflag:s23] =	ssyncset.done $0x0  }
0xa4: {  	s25 =	simm.s32 $0x1B8E;
	s24 =	sld [smem:$0x3FFE];
	[sflag:s23] =	ssyncadd.s32 $0xFFFFFFFF  }
0xa5: {  	s26 =	simm.s32 $execute0_lowered;
	[smem:$0x3FD2] =	sst s25  }
0xa6: {  	s5 =	sshll.u32 s26, $0x1;
	_ =	strace $0x80000049;
	[dreg:$0x1] =	wrdreg $0xFFFFFFFF  }
0xa7: {  	s28 =	simm.s32 $_size_execute0_lowered;
	s3 =	sadd.s32 s3, s5;
	[dreg:$0x0] =	wrdreg $0x0  }
0xa8: {  	s5 =	sshll.u32 s28, $0x1;
	[dreg:$0x2] =	wrdreg s3  }
0xa9: {  	[dreg:$0x3] =	wrdreg s5  }
0xaa: {  	[dreg:$0x4] =	wrdreg $0xC0  }
0xab: {  	_ =	task [dreg:s7], $0x5FFFF  }
0xac: {  	[dreg:$0x1] =	wrdreg $0xFFFFFFFF  }
0xad: {  	[dreg:$0x0] =	wrdreg $0x60  }
0xae: {  	[dreg:$0x2] =	wrdreg s24  }
0xaf: {  	[dreg:$0x3] =	wrdreg s2  }
0xb0: {  	[dreg:$0x4] =	wrdreg $0x9  }
0xb1: {  	_ =	task.clear_ibuf [dreg:s7], $0x5FFFF;
	_ =	strace $0x90000049  }
0xb2: {  	s29 =	simm.s32 $0x9;
	_ =	strace $0x8000004B  }
0xb3: {  	_ =	swait.ge [sflag:s29], $0x1  }
0xb4: {  	[sflag:s29] =	ssyncadd.s32 $0xFFFFFFFF  }
0xb5: {  	_ =	strace $0x9000004B  }
0xb6: {  	_ =	sfence  }
0xb7: {  	s30 =	sld [smem:$0x0];
	_ =	sdelay $0x2  }
0xb8: {  	s31 =	sshll.u32 s1, $0xD;
	s1 =	sshrl.u32 s1, $0x2  }
0xb9: {  	s3 =	sand.u32 $0x4000, s31;
	s1 =	sadd.s32 s1, s30  }
0xba: {  	s0 =	sor.u32 s3, s0;
	s1 =	sshll.u32 s1, $0x11  }
0xbb: {  	s0 =	sor.u32 s1, s0  }
0xbc: {  	s0 =	sadd.s32 $0x8F2B, s0  }
0xbd: {  	[sflag:s0] =	ssyncadd.remote.s32 $0x1  }
0xbe: {  	_ =	sfence.sel $0xFFFF  }
0xbf: {  	[dreg:$0x0] =	wrdreg $0xFFFFFFFF;
	(pc) =	sbr.abs _section_cstart, $3  }
0xc0: {  	[dreg:$0x1] =	wrdreg $0xFFFFFFFF  }
0xc1: {  	_ =	task.clear_ibuf [dreg:s7], $0x2FFFF;
	_ =	strace $0x9FFFFFFF  }
0xc2: {  	(tm) =	ssettm $0x7FFFFFFF  }
0xc3: {  	_ =	shalt  }
tec
execute0_lowered:
.L_overlay_start_1:
0x0: {  	(tag) =	ssettag $0x1  }
0x1: {  	s0 =	rddreg [dreg:$0x0]  }
0x2: {  	s1 =	rddreg [dreg:$0x1]  }
0x3: {  	s2 =	srdreg.scid;
	s4 =	stileid.u32;
	s17 =	simm.s32 $0x1  }
0x4: {  	s19 =	simm.s32 $0x10000;
	s20 =	simm.s32 $0x800;
	s21 =	simm.s32 $0x1000  }
0x5: {  	s28 =	simm.s32 $0x4000;
	s29 =	simm.s32 $0x4800;
	s30 =	simm.s32 $0x5000  }
0x6: {  	s31 =	simm.s32 $0x5800;
	s11 =	simm.s32 $0x8000;
	s12 =	simm.s32 $0x8800  }
0x7: {  	s13 =	simm.s32 $0x9000;
	s14 =	simm.s32 $0x9800;
	s15 =	simm.s32 $0xA000  }
0x8: {  	s16 =	simm.s32 $0xA800;
	s3 =	sand.u32 $0x1, s2;
	s2 =	simm.s32 $0x0  }
0x9: {  	s4 =	sshll.u32 s4, $0x8;
	s6 =	sadd.s32 $0x41200, s0;
	s5 =	sshll.u32 s3, $0x7  }
0xa: {  	[smem:$0x7FF] =	sst s2;
	s22 =	ssub.s32 $0x2, s3;
	s3 =	sadd.s32 $0x41400, s0  }
0xb: {  	s5 =	sor.u32 s5, s4;
	_ =	strace $0x8000004A;
	s7 =	sshrl.u32 s22, $0x1  }
0xc: {  	s4 =	sadd.s32 $0x41500, s0;
	s23 =	sshrl.u32 s5, $0x3;
	s7 =	ssub.s32 s22, s7  }
0xd: {  	s24 =	sshll.u32 s5, $0x7;
	s9 =	sor.u32 $0x40, s5;
	s5 =	sadd.s32 $0x41600, s0  }
0xe: {  	s22 =	simm.s32 $0x1800;
	s8 =	sadd.s32 s6, s23;
	s10 =	sshrl.u32 s9, $0x3  }
0xf: {  	s9 =	sshll.u32 s9, $0x7;
	s7 =	smax.u32 s7, $0x1;
	s23 =	simm.s32 $0x2000  }
0x10: {  	[dreg:$0x3] =	wrdreg s8;
	s8 =	sadd.s32 s1, s24;
	s25 =	sadd.s32 s6, s10  }
0x11: {  	s6 =	sadd.s32 $0x41700, s0;
	s26 =	sadd.s32 s1, s9;
	[dreg:$0x4] =	wrdreg s8  }
0x12: {  	v2 =	vlaneseq.u32;
	s9 =	simm.s32 $0x2;
	s24 =	simm.s32 $0x2800;
	[dreg:$0x5] =	wrdreg s25  }
0x13: {  	vm0 =	vmmov $0xffff;
	v1 =	vshrl.u32 v2, $0x3;
	s1 =	simm.s32 $0x6800;
	s10 =	simm.s32 $0x7800;
	[dreg:$0x6] =	wrdreg s26  }
0x14: {  	v0 =	vand.u32 $0x7, v2;
	v2 =	vor.u32 $0x8, v2;
	v1 =	vmul.u32 $0x8, v1;
	s25 =	simm.s32 $0x3000;
	s26 =	simm.s32 $0x3800;
	s8 =	simm.s32 $0x7000  }
.LBB2_1:
0x15: {  	s18 =	rddreg [dreg:$0x3]  }
0x16: {  	[tilespmem:s19], [sflag:$0x2] =	stream.linear.gather [hbm4b:s18+s2], $0x40, $0x38;
	[tilespmem:$0x10080] =	vst v63  }
0x17: {  	_ =	swait.ge [sflag:s9], $0x40  }
0x18: {  	[sflag:s9] =	ssyncset.done $0x0  }
0x19: {  	[sflag:s9] =	ssyncadd.s32 $0xFFFFFFC0  }
0x1a: {  	v3 =	vld [tilespmem:$0x10000];
	_ =	sdelay $0x4  }
0x1b: {  	v4 =	vshll.u32 v3, $0x3  }
0x1c: {  	v3 =	vand.u32 $0x7, v3;
	v4 =	vand.u32 $0xFFFFFFC0, v4  }
0x1d: {  	v3 =	vor.u32 v3, v4  }
0x1e: {  	v4 =	vperm.xlane v3, v0;
	_ =	sdelay $0x1  }
0x1f: {  	v4 =	vadd.s32 v1, v4;
	_ =	sdelay $0x4  }
0x20: {  	[tilespmem:s2], [sflag:$0x1] =	stream.indirect_vreg.gather [hbm4b:s3+s2], $0x80, v4, vm0, $0xb8;
	[tilespmem:$0x10080] =	vst v63  }
0x21: {  	v3 =	vperm.xlane v3, v2  }
0x22: {  	[tilespmem:s20], [sflag:$0x1] =	stream.indirect_vreg.gather [hbm4b:s4+s2], $0x80, v4, vm0, $0xb8;
	[tilespmem:$0x10080] =	vst v63  }
0x23: {  	v3 =	vadd.s32 v1, v3  }
0x24: {  	[tilespmem:s21], [sflag:$0x1] =	stream.indirect_vreg.gather [hbm4b:s5+s2], $0x80, v4, vm0, $0xb8;
	[tilespmem:$0x10080] =	vst v63  }
0x25: {  	_ = 	snop  }
0x26: {  	[tilespmem:s22], [sflag:$0x1] =	stream.indirect_vreg.gather [hbm4b:s6+s2], $0x80, v4, vm0, $0xb8;
	[tilespmem:$0x10080] =	vst v63  }
0x27: {  	_ = 	snop  }
0x28: {  	[tilespmem:s23], [sflag:$0x1] =	stream.indirect_vreg.gather [hbm4b:s3+s2], $0x80, v3, vm0, $0xb8;
	[tilespmem:$0x10080] =	vst v63  }
0x29: {  	_ = 	snop  }
0x2a: {  	[tilespmem:s24], [sflag:$0x1] =	stream.indirect_vreg.gather [hbm4b:s4+s2], $0x80, v3, vm0, $0xb8;
	[tilespmem:$0x10080] =	vst v63  }
0x2b: {  	_ = 	snop  }
0x2c: {  	[tilespmem:s25], [sflag:$0x1] =	stream.indirect_vreg.gather [hbm4b:s5+s2], $0x80, v3, vm0, $0xb8;
	[tilespmem:$0x10080] =	vst v63  }
0x2d: {  	_ = 	snop  }
0x2e: {  	[tilespmem:s26], [sflag:$0x1] =	stream.indirect_vreg.gather [hbm4b:s6+s2], $0x80, v3, vm0, $0xb8;
	[tilespmem:$0x10080] =	vst v63  }
0x2f: {  	v3 =	vld [tilespmem:$0x10010];
	_ =	sdelay $0x4  }
0x30: {  	v57 =	vshll.u32 v3, $0x3  }
0x31: {  	v3 =	vand.u32 $0x7, v3;
	v4 =	vand.u32 $0xFFFFFFC0, v57  }
0x32: {  	v3 =	vor.u32 v3, v4  }
0x33: {  	v4 =	vperm.xlane v3, v0;
	_ =	sdelay $0x1  }
0x34: {  	v4 =	vadd.s32 v1, v4;
	_ =	sdelay $0x4  }
0x35: {  	[tilespmem:s28], [sflag:$0x1] =	stream.indirect_vreg.gather [hbm4b:s3+s2], $0x80, v4, vm0, $0xb8;
	[tilespmem:$0x10080] =	vst v63  }
0x36: {  	v3 =	vperm.xlane v3, v2  }
0x37: {  	[tilespmem:s29], [sflag:$0x1] =	stream.indirect_vreg.gather [hbm4b:s4+s2], $0x80, v4, vm0, $0xb8;
	[tilespmem:$0x10080] =	vst v63  }
0x38: {  	v3 =	vadd.s32 v1, v3  }
0x39: {  	[tilespmem:s30], [sflag:$0x1] =	stream.indirect_vreg.gather [hbm4b:s5+s2], $0x80, v4, vm0, $0xb8;
	[tilespmem:$0x10080] =	vst v63  }
0x3a: {  	_ = 	snop  }
0x3b: {  	[tilespmem:s31], [sflag:$0x1] =	stream.indirect_vreg.gather [hbm4b:s6+s2], $0x80, v4, vm0, $0xb8;
	[tilespmem:$0x10080] =	vst v63  }
0x3c: {  	s0 =	simm.s32 $0x6000  }
0x3d: {  	[tilespmem:s0], [sflag:$0x1] =	stream.indirect_vreg.gather [hbm4b:s3+s2], $0x80, v3, vm0, $0xb8;
	[tilespmem:$0x10080] =	vst v63  }
0x3e: {  	_ = 	snop  }
0x3f: {  	[tilespmem:s1], [sflag:$0x1] =	stream.indirect_vreg.gather [hbm4b:s4+s2], $0x80, v3, vm0, $0xb8;
	[tilespmem:$0x10080] =	vst v63  }
0x40: {  	_ = 	snop  }
0x41: {  	[tilespmem:s8], [sflag:$0x1] =	stream.indirect_vreg.gather [hbm4b:s5+s2], $0x80, v3, vm0, $0xb8;
	[tilespmem:$0x10080] =	vst v63  }
0x42: {  	_ = 	snop  }
0x43: {  	[tilespmem:s10], [sflag:$0x1] =	stream.indirect_vreg.gather [hbm4b:s6+s2], $0x80, v3, vm0, $0xb8;
	[tilespmem:$0x10080] =	vst v63  }
0x44: {  	v3 =	vld [tilespmem:$0x10020];
	_ =	sdelay $0x4  }
0x45: {  	v58 =	vshll.u32 v3, $0x3  }
0x46: {  	v3 =	vand.u32 $0x7, v3;
	v4 =	vand.u32 $0xFFFFFFC0, v58  }
0x47: {  	v3 =	vor.u32 v3, v4  }
0x48: {  	v4 =	vperm.xlane v3, v0;
	_ =	sdelay $0x1  }
0x49: {  	v4 =	vadd.s32 v1, v4;
	_ =	sdelay $0x4  }
0x4a: {  	[tilespmem:s11], [sflag:$0x1] =	stream.indirect_vreg.gather [hbm4b:s3+s2], $0x80, v4, vm0, $0xb8;
	[tilespmem:$0x10080] =	vst v63  }
0x4b: {  	v3 =	vperm.xlane v3, v2  }
0x4c: {  	[tilespmem:s12], [sflag:$0x1] =	stream.indirect_vreg.gather [hbm4b:s4+s2], $0x80, v4, vm0, $0xb8;
	[tilespmem:$0x10080] =	vst v63  }
0x4d: {  	v3 =	vadd.s32 v1, v3  }
0x4e: {  	[tilespmem:s13], [sflag:$0x1] =	stream.indirect_vreg.gather [hbm4b:s5+s2], $0x80, v4, vm0, $0xb8;
	[tilespmem:$0x10080] =	vst v63  }
0x4f: {  	_ = 	snop  }
0x50: {  	[tilespmem:s14], [sflag:$0x1] =	stream.indirect_vreg.gather [hbm4b:s6+s2], $0x80, v4, vm0, $0xb8;
	[tilespmem:$0x10080] =	vst v63  }
0x51: {  	_ = 	snop  }
0x52: {  	[tilespmem:s15], [sflag:$0x1] =	stream.indirect_vreg.gather [hbm4b:s3+s2], $0x80, v3, vm0, $0xb8;
	[tilespmem:$0x10080] =	vst v63  }
0x53: {  	_ = 	snop  }
0x54: {  	[tilespmem:s16], [sflag:$0x1] =	stream.indirect_vreg.gather [hbm4b:s4+s2], $0x80, v3, vm0, $0xb8;
	[tilespmem:$0x10080] =	vst v63  }
0x55: {  	s18 =	simm.s32 $0xB000  }
0x56: {  	[tilespmem:s18], [sflag:$0x1] =	stream.indirect_vreg.gather [hbm4b:s5+s2], $0x80, v3, vm0, $0xb8;
	[tilespmem:$0x10080] =	vst v63  }
0x57: {  	s18 =	simm.s32 $0xB800  }
0x58: {  	[tilespmem:s18], [sflag:$0x1] =	stream.indirect_vreg.gather [hbm4b:s6+s2], $0x80, v3, vm0, $0xb8;
	[tilespmem:$0x10080] =	vst v63  }
0x59: {  	v3 =	vld [tilespmem:$0x10030];
	_ =	sdelay $0x4  }
0x5a: {  	v59 =	vshll.u32 v3, $0x3  }
0x5b: {  	v3 =	vand.u32 $0x7, v3;
	v4 =	vand.u32 $0xFFFFFFC0, v59  }
0x5c: {  	v3 =	vor.u32 v3, v4  }
0x5d: {  	v4 =	vperm.xlane v3, v0;
	_ =	sdelay $0x1  }
0x5e: {  	v4 =	vadd.s32 v1, v4;
	_ =	sdelay $0x3  }
0x5f: {  	s18 =	simm.s32 $0xC000  }
0x60: {  	[tilespmem:s18], [sflag:$0x1] =	stream.indirect_vreg.gather [hbm4b:s3+s2], $0x80, v4, vm0, $0xb8;
	[tilespmem:$0x10080] =	vst v63  }
0x61: {  	v3 =	vperm.xlane v3, v2;
	s18 =	simm.s32 $0xC800  }
0x62: {  	[tilespmem:s18], [sflag:$0x1] =	stream.indirect_vreg.gather [hbm4b:s4+s2], $0x80, v4, vm0, $0xb8;
	[tilespmem:$0x10080] =	vst v63  }
0x63: {  	v3 =	vadd.s32 v1, v3;
	s18 =	simm.s32 $0xD000  }
0x64: {  	[tilespmem:s18], [sflag:$0x1] =	stream.indirect_vreg.gather [hbm4b:s5+s2], $0x80, v4, vm0, $0xb8;
	[tilespmem:$0x10080] =	vst v63  }
0x65: {  	s18 =	simm.s32 $0xD800  }
0x66: {  	[tilespmem:s18], [sflag:$0x1] =	stream.indirect_vreg.gather [hbm4b:s6+s2], $0x80, v4, vm0, $0xb8;
	[tilespmem:$0x10080] =	vst v63  }
0x67: {  	s18 =	simm.s32 $0xE000  }
0x68: {  	[tilespmem:s18], [sflag:$0x1] =	stream.indirect_vreg.gather [hbm4b:s3+s2], $0x80, v3, vm0, $0xb8;
	[tilespmem:$0x10080] =	vst v63  }
0x69: {  	s18 =	simm.s32 $0xE800  }
0x6a: {  	[tilespmem:s18], [sflag:$0x1] =	stream.indirect_vreg.gather [hbm4b:s4+s2], $0x80, v3, vm0, $0xb8;
	[tilespmem:$0x10080] =	vst v63  }
0x6b: {  	s18 =	simm.s32 $0xF000  }
0x6c: {  	[tilespmem:s18], [sflag:$0x1] =	stream.indirect_vreg.gather [hbm4b:s5+s2], $0x80, v3, vm0, $0xb8;
	[tilespmem:$0x10080] =	vst v63  }
0x6d: {  	s18 =	simm.s32 $0xF800  }
0x6e: {  	[tilespmem:s18], [sflag:$0x1] =	stream.indirect_vreg.gather [hbm4b:s6+s2], $0x80, v3, vm0, $0xb8;
	[tilespmem:$0x10080] =	vst v63  }
0x6f: {  	_ =	swait.ge [sflag:s17], $0x10000  }
0x70: {  	[sflag:s17] =	ssyncset.done $0x0  }
0x71: {  	s18 =	rddreg [dreg:$0x4];
	[sflag:s17] =	ssyncadd.s32 $0xFFFF0000  }
0x72: {  	[hbm4b:s18+s2] =	stream.linear.scatter [tilespmem:s2], [sflag:$0x2], $0x10000, $0x38;
	[tilespmem:$0x10080] =	vst v63  }
0x73: {  	_ =	swait.ge [sflag:s9], $0x10000  }
0x74: {  	[sflag:s9] =	ssyncset.done $0x0  }
0x75: {  	s18 =	rddreg [dreg:$0x5];
	[sflag:s9] =	ssyncadd.s32 $0xFFFF0000  }
0x76: {  	[tilespmem:s19], [sflag:$0x2] =	stream.linear.gather [hbm4b:s18+s2], $0x40, $0x38;
	[tilespmem:$0x10080] =	vst v63  }
0x77: {  	_ =	swait.ge [sflag:s9], $0x40  }
0x78: {  	[sflag:s9] =	ssyncset.done $0x0  }
0x79: {  	[sflag:s9] =	ssyncadd.s32 $0xFFFFFFC0  }
0x7a: {  	v3 =	vld [tilespmem:$0x10000];
	_ =	sdelay $0x4  }
0x7b: {  	v60 =	vshll.u32 v3, $0x3  }
0x7c: {  	v3 =	vand.u32 $0x7, v3;
	v4 =	vand.u32 $0xFFFFFFC0, v60  }
0x7d: {  	v3 =	vor.u32 v3, v4  }
0x7e: {  	v4 =	vperm.xlane v3, v0;
	_ =	sdelay $0x1  }
0x7f: {  	v4 =	vadd.s32 v1, v4;
	_ =	sdelay $0x4  }
0x80: {  	[tilespmem:s2], [sflag:$0x1] =	stream.indirect_vreg.gather [hbm4b:s3+s2], $0x80, v4, vm0, $0xb8;
	[tilespmem:$0x10080] =	vst v63  }
0x81: {  	v3 =	vperm.xlane v3, v2  }
0x82: {  	[tilespmem:s20], [sflag:$0x1] =	stream.indirect_vreg.gather [hbm4b:s4+s2], $0x80, v4, vm0, $0xb8;
	[tilespmem:$0x10080] =	vst v63  }
0x83: {  	v3 =	vadd.s32 v1, v3  }
0x84: {  	[tilespmem:s21], [sflag:$0x1] =	stream.indirect_vreg.gather [hbm4b:s5+s2], $0x80, v4, vm0, $0xb8;
	[tilespmem:$0x10080] =	vst v63  }
0x85: {  	_ = 	snop  }
0x86: {  	[tilespmem:s22], [sflag:$0x1] =	stream.indirect_vreg.gather [hbm4b:s6+s2], $0x80, v4, vm0, $0xb8;
	[tilespmem:$0x10080] =	vst v63  }
0x87: {  	_ = 	snop  }
0x88: {  	[tilespmem:s23], [sflag:$0x1] =	stream.indirect_vreg.gather [hbm4b:s3+s2], $0x80, v3, vm0, $0xb8;
	[tilespmem:$0x10080] =	vst v63  }
0x89: {  	_ = 	snop  }
0x8a: {  	[tilespmem:s24], [sflag:$0x1] =	stream.indirect_vreg.gather [hbm4b:s4+s2], $0x80, v3, vm0, $0xb8;
	[tilespmem:$0x10080] =	vst v63  }
0x8b: {  	_ = 	snop  }
0x8c: {  	[tilespmem:s25], [sflag:$0x1] =	stream.indirect_vreg.gather [hbm4b:s5+s2], $0x80, v3, vm0, $0xb8;
	[tilespmem:$0x10080] =	vst v63  }
0x8d: {  	_ = 	snop  }
0x8e: {  	[tilespmem:s26], [sflag:$0x1] =	stream.indirect_vreg.gather [hbm4b:s6+s2], $0x80, v3, vm0, $0xb8;
	[tilespmem:$0x10080] =	vst v63  }
0x8f: {  	v3 =	vld [tilespmem:$0x10010];
	_ =	sdelay $0x4  }
0x90: {  	v61 =	vshll.u32 v3, $0x3  }
0x91: {  	v3 =	vand.u32 $0x7, v3;
	v4 =	vand.u32 $0xFFFFFFC0, v61  }
0x92: {  	v3 =	vor.u32 v3, v4  }
0x93: {  	v4 =	vperm.xlane v3, v0;
	_ =	sdelay $0x1  }
0x94: {  	v4 =	vadd.s32 v1, v4;
	_ =	sdelay $0x4  }
0x95: {  	[tilespmem:s28], [sflag:$0x1] =	stream.indirect_vreg.gather [hbm4b:s3+s2], $0x80, v4, vm0, $0xb8;
	[tilespmem:$0x10080] =	vst v63  }
0x96: {  	v3 =	vperm.xlane v3, v2  }
0x97: {  	[tilespmem:s29], [sflag:$0x1] =	stream.indirect_vreg.gather [hbm4b:s4+s2], $0x80, v4, vm0, $0xb8;
	[tilespmem:$0x10080] =	vst v63  }
0x98: {  	v3 =	vadd.s32 v1, v3  }
0x99: {  	[tilespmem:s30], [sflag:$0x1] =	stream.indirect_vreg.gather [hbm4b:s5+s2], $0x80, v4, vm0, $0xb8;
	[tilespmem:$0x10080] =	vst v63  }
0x9a: {  	_ = 	snop  }
0x9b: {  	[tilespmem:s31], [sflag:$0x1] =	stream.indirect_vreg.gather [hbm4b:s6+s2], $0x80, v4, vm0, $0xb8;
	[tilespmem:$0x10080] =	vst v63  }
0x9c: {  	_ = 	snop  }
0x9d: {  	[tilespmem:s0], [sflag:$0x1] =	stream.indirect_vreg.gather [hbm4b:s3+s2], $0x80, v3, vm0, $0xb8;
	[tilespmem:$0x10080] =	vst v63  }
0x9e: {  	_ = 	snop  }
0x9f: {  	[tilespmem:s1], [sflag:$0x1] =	stream.indirect_vreg.gather [hbm4b:s4+s2], $0x80, v3, vm0, $0xb8;
	[tilespmem:$0x10080] =	vst v63  }
0xa0: {  	_ = 	snop  }
0xa1: {  	[tilespmem:s8], [sflag:$0x1] =	stream.indirect_vreg.gather [hbm4b:s5+s2], $0x80, v3, vm0, $0xb8;
	[tilespmem:$0x10080] =	vst v63  }
0xa2: {  	_ = 	snop  }
0xa3: {  	[tilespmem:s10], [sflag:$0x1] =	stream.indirect_vreg.gather [hbm4b:s6+s2], $0x80, v3, vm0, $0xb8;
	[tilespmem:$0x10080] =	vst v63  }
0xa4: {  	v3 =	vld [tilespmem:$0x10020];
	_ =	sdelay $0x4  }
0xa5: {  	v62 =	vshll.u32 v3, $0x3  }
0xa6: {  	v3 =	vand.u32 $0x7, v3;
	v4 =	vand.u32 $0xFFFFFFC0, v62  }
0xa7: {  	v3 =	vor.u32 v3, v4  }
0xa8: {  	v4 =	vperm.xlane v3, v0;
	_ =	sdelay $0x1  }
0xa9: {  	v4 =	vadd.s32 v1, v4;
	_ =	sdelay $0x4  }
0xaa: {  	[tilespmem:s11], [sflag:$0x1] =	stream.indirect_vreg.gather [hbm4b:s3+s2], $0x80, v4, vm0, $0xb8;
	[tilespmem:$0x10080] =	vst v63  }
0xab: {  	v3 =	vperm.xlane v3, v2  }
0xac: {  	[tilespmem:s12], [sflag:$0x1] =	stream.indirect_vreg.gather [hbm4b:s4+s2], $0x80, v4, vm0, $0xb8;
	[tilespmem:$0x10080] =	vst v63  }
0xad: {  	v3 =	vadd.s32 v1, v3  }
0xae: {  	[tilespmem:s13], [sflag:$0x1] =	stream.indirect_vreg.gather [hbm4b:s5+s2], $0x80, v4, vm0, $0xb8;
	[tilespmem:$0x10080] =	vst v63  }
0xaf: {  	_ = 	snop  }
0xb0: {  	[tilespmem:s14], [sflag:$0x1] =	stream.indirect_vreg.gather [hbm4b:s6+s2], $0x80, v4, vm0, $0xb8;
	[tilespmem:$0x10080] =	vst v63  }
0xb1: {  	_ = 	snop  }
0xb2: {  	[tilespmem:s15], [sflag:$0x1] =	stream.indirect_vreg.gather [hbm4b:s3+s2], $0x80, v3, vm0, $0xb8;
	[tilespmem:$0x10080] =	vst v63  }
0xb3: {  	_ = 	snop  }
0xb4: {  	[tilespmem:s16], [sflag:$0x1] =	stream.indirect_vreg.gather [hbm4b:s4+s2], $0x80, v3, vm0, $0xb8;
	[tilespmem:$0x10080] =	vst v63  }
0xb5: {  	s18 =	simm.s32 $0xB000  }
0xb6: {  	[tilespmem:s18], [sflag:$0x1] =	stream.indirect_vreg.gather [hbm4b:s5+s2], $0x80, v3, vm0, $0xb8;
	[tilespmem:$0x10080] =	vst v63  }
0xb7: {  	s18 =	simm.s32 $0xB800  }
0xb8: {  	[tilespmem:s18], [sflag:$0x1] =	stream.indirect_vreg.gather [hbm4b:s6+s2], $0x80, v3, vm0, $0xb8;
	[tilespmem:$0x10080] =	vst v63  }
0xb9: {  	v3 =	vld [tilespmem:$0x10030];
	_ =	sdelay $0x4  }
0xba: {  	v63 =	vshll.u32 v3, $0x3  }
0xbb: {  	v3 =	vand.u32 $0x7, v3;
	v4 =	vand.u32 $0xFFFFFFC0, v63  }
0xbc: {  	v3 =	vor.u32 v3, v4  }
0xbd: {  	v4 =	vperm.xlane v3, v0;
	_ =	sdelay $0x1  }
0xbe: {  	v4 =	vadd.s32 v1, v4;
	_ =	sdelay $0x3  }
0xbf: {  	s18 =	simm.s32 $0xC000  }
0xc0: {  	[tilespmem:s18], [sflag:$0x1] =	stream.indirect_vreg.gather [hbm4b:s3+s2], $0x80, v4, vm0, $0xb8;
	[tilespmem:$0x10080] =	vst v63  }
0xc1: {  	v3 =	vperm.xlane v3, v2;
	s18 =	simm.s32 $0xC800  }
0xc2: {  	[tilespmem:s18], [sflag:$0x1] =	stream.indirect_vreg.gather [hbm4b:s4+s2], $0x80, v4, vm0, $0xb8;
	[tilespmem:$0x10080] =	vst v63  }
0xc3: {  	v3 =	vadd.s32 v1, v3;
	s18 =	simm.s32 $0xD000  }
0xc4: {  	[tilespmem:s18], [sflag:$0x1] =	stream.indirect_vreg.gather [hbm4b:s5+s2], $0x80, v4, vm0, $0xb8;
	[tilespmem:$0x10080] =	vst v63  }
0xc5: {  	s18 =	simm.s32 $0xD800  }
0xc6: {  	[tilespmem:s18], [sflag:$0x1] =	stream.indirect_vreg.gather [hbm4b:s6+s2], $0x80, v4, vm0, $0xb8;
	[tilespmem:$0x10080] =	vst v63  }
0xc7: {  	s18 =	simm.s32 $0xE000  }
0xc8: {  	[tilespmem:s18], [sflag:$0x1] =	stream.indirect_vreg.gather [hbm4b:s3+s2], $0x80, v3, vm0, $0xb8;
	[tilespmem:$0x10080] =	vst v63  }
0xc9: {  	s18 =	simm.s32 $0xE800  }
0xca: {  	[tilespmem:s18], [sflag:$0x1] =	stream.indirect_vreg.gather [hbm4b:s4+s2], $0x80, v3, vm0, $0xb8;
	[tilespmem:$0x10080] =	vst v63  }
0xcb: {  	s18 =	simm.s32 $0xF000  }
0xcc: {  	[tilespmem:s18], [sflag:$0x1] =	stream.indirect_vreg.gather [hbm4b:s5+s2], $0x80, v3, vm0, $0xb8;
	[tilespmem:$0x10080] =	vst v63  }
0xcd: {  	s18 =	simm.s32 $0xF800  }
0xce: {  	[tilespmem:s18], [sflag:$0x1] =	stream.indirect_vreg.gather [hbm4b:s6+s2], $0x80, v3, vm0, $0xb8;
	[tilespmem:$0x10080] =	vst v63  }
0xcf: {  	_ =	swait.ge [sflag:s17], $0x10000  }
0xd0: {  	p0 =	sne.s32 s7, $0x1;
	[sflag:s17] =	ssyncset.done $0x0  }
.Ltmp0:
0xd1: {  	s0 =	rddreg [dreg:$0x6];
	[sflag:s17] =	ssyncadd.s32 $0xFFFF0000;
	(pc) =	sbr.rel @p0 .LBB2_1-.Ltmp0, $4  }
0xd2: {  	[hbm4b:s0+s2] =	stream.linear.scatter [tilespmem:s2], [sflag:$0x2], $0x10000, $0x38;
	[tilespmem:$0x10080] =	vst v63  }
0xd3: {  	_ =	swait.ge [sflag:s9], $0x10000  }
0xd4: {  	[sflag:s9] =	ssyncset.done $0x0  }
0xd5: {  	s7 =	sadd.s32 $0xFFFFFFFF, s7;
	[sflag:s9] =	ssyncadd.s32 $0xFFFF0000  }
0xd6: {  	_ =	sfence.sel $0x180000  }
0xd7: {  	[bflag:$0x0] =	sbarrier.arrive $0xFFFF  }
0xd8: {  	_ =	strace $0x9000004A  }
0xd9: {  	s0 =	stileid.u32;
	[bflag:$0x2] =	sbarrier.arrive $0xFFFF  }
0xda: {  	p0 =	sne.s32 s0, $0x0;
	s0 =	rddreg [dreg:$0x2]  }
0xdb: {  	s0 =	sadd.s32 @!p0 $0x100000, s0  }
0xdc: {  	[sflag:s0] =	ssyncadd.tile.s32 @!p0 $0x1;
	_ =	shalt  }
.Lfunc_end2:
_tile_overlayer_lowered:
.L_overlay_start_2:
0xdd: {  	(tag) =	ssettag $0x2  }
0xde: {  	s0 =	rddreg [dreg:$0x0];
	s2 =	stileid.u32  }
0xdf: {  	s1 =	rddreg [dreg:$0x1];
	p0 =	sne.s32 s2, $0x0  }
0xe0: {  	s3 =	rddreg [dreg:$0x2];
	[bflag:$0x3] =	sbarrier.arrive $0xFFFF;
	s2 =	simm.s32 @!p0 $0x1C02  }
0xe1: {  	[timem:s3], [sflag:s2] =	dma.local @!p0 [hbm:s0], s1  }
0xe2: {  	s0 =	simm.s32 @!p0 $0x2  }
0xe3: {  	_ =	swait.ge @!p0 [sflag:s0], s1  }
0xe4: {  	s1 =	ssub.s32 @!p0 $0x0, s1;
	[sflag:s0] =	ssyncset.done @!p0 $0x0  }
0xe5: {  	[sflag:s0] =	ssyncadd.s32 @!p0 s1  }
0xe6: {  	[bflag:$0x3] =	sbarrier.arrive $0xFFFF  }
0xe7: {  	_ =	shalt  }

</sc_bundles>
